<compile_context>
chip_gen: v7x
topology: tpu7x:2x2x1
jax: 0.10.2.dev20260603
libtpu: 0.0.44.dev20260713+nightly
codegen_flags: <defaults>
</compile_context>

<pallas_src>
import functools

import jax
import jax.numpy as jnp
from jax import lax
from jax.experimental import pallas as pl
from jax.experimental.pallas import tpu as pltpu
from jax.experimental.pallas import tpu_sc as plsc

B = 16384
D_DENSE = 13
F = 26
V = 100000
E = 16

NC = 2
NS = 16
NW = NC * NS
R = F * E
R_PER_W = R // NW
IC = 4096
NIC = B // IC


@functools.cache
def _make_sc_gather():
    sc_mesh = plsc.VectorSubcoreMesh(core_axis_name="c", subcore_axis_name="s")

    @functools.partial(
        pl.kernel,
        mesh=sc_mesh,
        compiler_params=pltpu.CompilerParams(use_tc_tiling_on_sc=True,
                                             needs_layout_passes=False),
        out_type=jax.ShapeDtypeStruct((R, B), jnp.float32),
        scratch_types=[
            pltpu.VMEM((V,), jnp.float32),
            pltpu.VMEM((B,), jnp.int32),
            pltpu.VMEM((IC,), jnp.float32),
            pltpu.VMEM((IC,), jnp.float32),
            pltpu.SemaphoreType.DMA,
            pltpu.SemaphoreType.DMA,
            pltpu.SemaphoreType.DMA,
        ],
    )
    def sc_gather(table_hbm, idx_hbm, out_hbm, row_v, idx_v, out_v0, out_v1,
                  row_sem, os0, os1):
        wid = lax.axis_index("s") * NC + lax.axis_index("c")
        r0 = wid * R_PER_W
        outv = (out_v0, out_v1)
        osem = (os0, os1)

        pltpu.async_copy(table_hbm.at[r0], row_v, row_sem)
        pltpu.sync_copy(idx_hbm.at[r0 // E], idx_v)

        def row_body(j, f_prev):
            r = r0 + j
            f = r // E
            pltpu.make_async_copy(table_hbm.at[r], row_v, row_sem).wait()

            @pl.when(f != f_prev)
            def _():
                pltpu.sync_copy(idx_hbm.at[f], idx_v)

            for c in range(NIC):
                p = c % 2

                @pl.when((j > 0) | (c >= 2))
                def _():
                    pltpu.make_async_copy(
                        outv[p], out_hbm.at[r, pl.ds(c * IC, IC)], osem[p]).wait()

                @plsc.parallel_loop(0, IC, 16, unroll=8)
                def gat(i, c=c, p=p):
                    iv = idx_v[pl.ds(c * IC + i, 16)]
                    outv[p][pl.ds(i, 16)] = plsc.load_gather(row_v, [iv])
                if c == NIC - 1:
                    @pl.when(j + 1 < R_PER_W)
                    def _():
                        pltpu.async_copy(table_hbm.at[r + 1], row_v, row_sem)
                pltpu.async_copy(outv[p], out_hbm.at[r, pl.ds(c * IC, IC)], osem[p])
            return f

        f_last = lax.fori_loop(0, R_PER_W, row_body, r0 // E)
        pltpu.make_async_copy(outv[0], out_hbm.at[r0, pl.ds(0, IC)], osem[0]).wait()
        pltpu.make_async_copy(outv[1], out_hbm.at[r0, pl.ds(IC, IC)], osem[1]).wait()
        del f_last

    return sc_gather


BB = 4096
_GRID = B // BB


def _mlp_body(dense_ref, emb_ref,
              cw0d, cw0e, cb0, cw1, cb1, cw2, cb2, cw3, cb3,
              vw0d, vw0e, vb0, vw1, vb1, vw2, vb2, vw3, vb3,
              ctr_out, ctcvr_out):
    x_d = dense_ref[...]
    x_e = emb_ref[...]

    x_e16 = x_e.astype(jnp.bfloat16)

    def tower(w0d, w0e, b0, w1, b1, w2, b2, w3, b3):
        h = jnp.dot(w0e[...], x_e16, preferred_element_type=jnp.float32)
        h = h + jnp.dot(w0d[...], x_d, preferred_element_type=jnp.float32)
        h = jnp.maximum(h + b0[...], 0.0)
        h = jnp.maximum(jnp.dot(w1[...], h, preferred_element_type=jnp.float32) + b1[...], 0.0)
        h = jnp.maximum(jnp.dot(w2[...], h, preferred_element_type=jnp.float32) + b2[...], 0.0)
        return jnp.dot(w3[...], h, preferred_element_type=jnp.float32) + b3[...]

    ctr = jax.nn.sigmoid(tower(cw0d, cw0e, cb0, cw1, cb1, cw2, cb2, cw3, cb3))
    cvr = jax.nn.sigmoid(tower(vw0d, vw0e, vb0, vw1, vb1, vw2, vb2, vw3, vb3))
    ctr_out[...] = ctr
    ctcvr_out[...] = ctr * cvr


def _mlp(dense_t, emb_t, ws):
    full = lambda shape: pl.BlockSpec(shape, lambda i: (0, 0))
    in_specs = [
        pl.BlockSpec((D_DENSE, BB), lambda i: (0, i)),
        pl.BlockSpec((R, BB), lambda i: (0, i)),
    ]
    for _ in range(2):
        in_specs += [
            full((256, D_DENSE)), full((256, R)), full((256, 1)),
            full((128, 256)), full((128, 1)),
            full((64, 128)), full((64, 1)),
            full((1, 64)), full((1, 1)),
        ]
    return pl.pallas_call(
        _mlp_body,
        grid=(_GRID,),
        in_specs=in_specs,
        out_specs=[pl.BlockSpec((1, BB), lambda i: (0, i)),
                   pl.BlockSpec((1, BB), lambda i: (0, i))],
        out_shape=[jax.ShapeDtypeStruct((1, B), jnp.float32),
                   jax.ShapeDtypeStruct((1, B), jnp.float32)],
    )(dense_t, emb_t, *ws)


def kernel(dense_inputs, sparse_inputs, tables,
           ctr_W0, ctr_b0, ctr_W1, ctr_b1, ctr_W2, ctr_b2, ctr_W3, ctr_b3,
           cvr_W0, cvr_b0, cvr_W1, cvr_b1, cvr_W2, cvr_b2, cvr_W3, cvr_b3):
    table_t = tables.transpose(0, 2, 1).reshape(R, V)
    idx_t = sparse_inputs.T
    emb_t = _make_sc_gather()(table_t, idx_t)

    def prep(W0, b0, W1, b1, W2, b2, W3, b3):
        return (W0[:D_DENSE].T, W0[D_DENSE:].T.astype(jnp.bfloat16),
                b0.reshape(-1, 1),
                W1.T, b1.reshape(-1, 1), W2.T, b2.reshape(-1, 1),
                W3.T, b3.reshape(-1, 1))

    ws = (prep(ctr_W0, ctr_b0, ctr_W1, ctr_b1, ctr_W2, ctr_b2, ctr_W3, ctr_b3)
          + prep(cvr_W0, cvr_b0, cvr_W1, cvr_b1, cvr_W2, cvr_b2, cvr_W3, cvr_b3))
    ctr_t, ctcvr_t = _mlp(dense_inputs.T, emb_t, ws)
    return (ctr_t.reshape(B, 1), ctcvr_t.reshape(B, 1))

# --- scband reference (transcript-rebuilt; emitter-appended) ---
"""Pipeline reference for scband-esmm-51436528337376 (READ-ONLY COPY).

The authoritative reference and input builder live on the scoring server;
editing this copy changes nothing except your own understanding.
"""

import jax, jax.numpy as jnp
import numpy as np

B = 16384
D_DENSE = 13
F = 26
V = 100000
E = 16
HID = [256, 128, 64]
IN_DIM = D_DENSE + F * E


def setup_inputs(seed: int = 0) -> dict:
    key = jax.random.key(seed)
    ks = jax.random.split(key, 24)
    inp = {}
    inp["dense_inputs"] = jax.random.normal(ks[0], (B, D_DENSE), dtype=jnp.float32)
    inp["sparse_inputs"] = jax.random.randint(ks[1], (B, F), 0, V, dtype=jnp.int32)
    # 26 embedding tables, all [V, E]; stacked into one tensor [F, V, E]
    inp["tables"] = jax.random.normal(ks[2], (F, V, E), dtype=jnp.float32) * 0.05
    dims = [IN_DIM] + HID + [1]
    kidx = 3
    for tower in ("ctr", "cvr"):
        for i in range(4):
            inp[f"{tower}_W{i}"] = jax.random.normal(ks[kidx], (dims[i], dims[i + 1]), dtype=jnp.float32) * 0.05
            kidx += 1
            inp[f"{tower}_b{i}"] = jnp.zeros((dims[i + 1],), dtype=jnp.float32)
    return inp


def _deep_layer(x, Ws, bs):
    # Deep_layer: hidden Dense layers with relu, final Dense(output_dim) linear
    for i in range(3):
        x = jax.nn.relu(x @ Ws[i] + bs[i])
    return x @ Ws[3] + bs[3]


def reference(dense_inputs, sparse_inputs, tables,
              ctr_W0, ctr_b0, ctr_W1, ctr_b1, ctr_W2, ctr_b2, ctr_W3, ctr_b3,
              cvr_W0, cvr_b0, cvr_W1, cvr_b1, cvr_W2, cvr_b2, cvr_W3, cvr_b3):
    # per-field embedding lookup: embed_i(sparse_inputs[:, i]) then concat on feature axis
    field_ids = jnp.arange(F, dtype=jnp.int32)[None, :]  # [1, F]
    emb = tables[field_ids, sparse_inputs]  # [B, F, E] gather
    sparse_embed = emb.reshape(B, F * E)
    x = jnp.concatenate([dense_inputs, sparse_embed], axis=-1)
    ctr_logit = _deep_layer(x, [ctr_W0, ctr_W1, ctr_W2, ctr_W3], [ctr_b0, ctr_b1, ctr_b2, ctr_b3])
    ctr_output = jax.nn.sigmoid(ctr_logit)
    cvr_logit = _deep_layer(x, [cvr_W0, cvr_W1, cvr_W2, cvr_W3], [cvr_b0, cvr_b1, cvr_b2, cvr_b3])
    cvr_output = jax.nn.sigmoid(cvr_logit)
    ctcvr_output = ctr_output * cvr_output
    return (ctr_output, ctcvr_output)

if __name__ == "__main__":
    import jax
    _d = setup_inputs()
    print(jax.jit(kernel)(*tuple(_d.values())))

</pallas_src>

<mosaic_0001>
#map = affine_map<(d0, d1) -> (0, 0)>
module attributes {stable_mosaic.version = 14 : i64} {
  func.func @sc_gather(%arg0: i32, %arg1: i32, %arg2: memref<416x100000xf32, #tpu.memory_space<hbm>>, %arg3: memref<26x16384xi32, #tpu.memory_space<hbm>>, %arg4: memref<416x16384xf32, #tpu.memory_space<hbm>>, %arg5: memref<100000xf32, #tpu.memory_space<vmem>>, %arg6: memref<16384xi32, #tpu.memory_space<vmem>>, %arg7: memref<4096xf32, #tpu.memory_space<vmem>>, %arg8: memref<4096xf32, #tpu.memory_space<vmem>>, %arg9: memref<!tpu.dma_semaphore, #tpu.memory_space<semaphore_mem>>, %arg10: memref<!tpu.dma_semaphore, #tpu.memory_space<semaphore_mem>>, %arg11: memref<!tpu.dma_semaphore, #tpu.memory_space<semaphore_mem>>) attributes {dimension_semantics = [#tpu.dimension_semantics<core_parallel>, #tpu.dimension_semantics<subcore_parallel>], iteration_bounds = array<i64: 2, 16>, scalar_prefetch = 0 : i64, scratch_operands = 7 : i64, tpu.core_type = #tpu.core_type<sc_vector_subcore>, window_params = [{transform_indices = #map}, {transform_indices = #map}, {transform_indices = #map}]} {
    %mul3A = arith.constant 2 : i32
    %mul3A_0 = arith.muli %arg1, %mul3A : i32
    %add3A = arith.addi %mul3A_0, %arg0 : i32
    %mul3A_1 = arith.constant 13 : i32
    %mul3A_2 = arith.muli %add3A, %mul3A_1 : i32
    %dma_start3A = arith.constant 0 : i32
    %dma_start3A_3 = tpu.memref_slice %arg2[%mul3A_2, %dma_start3A] : memref<416x100000xf32, #tpu.memory_space<hbm>> -> memref<1x100000xf32, #tpu.memory_space<hbm>>
    %dma_start3A_4 = tpu.memref_squeeze %dma_start3A_3 : memref<1x100000xf32, #tpu.memory_space<hbm>> -> memref<100000xf32, #tpu.memory_space<hbm>>
    %dma_start3A_5 = arith.constant 0 : i32
    %dma_start3A_6 = tpu.memref_slice %arg2[%mul3A_2, %dma_start3A_5] : memref<416x100000xf32, #tpu.memory_space<hbm>> -> memref<1x100000xf32, #tpu.memory_space<hbm>>
    %dma_start3A_7 = tpu.memref_squeeze %dma_start3A_6 : memref<1x100000xf32, #tpu.memory_space<hbm>> -> memref<100000xf32, #tpu.memory_space<hbm>>
    tpu.enqueue_dma source(%dma_start3A_7 : memref<100000xf32, #tpu.memory_space<hbm>>) target(%arg5 : memref<100000xf32, #tpu.memory_space<vmem>>) target_semaphore(%arg9 : memref<!tpu.dma_semaphore, #tpu.memory_space<semaphore_mem>>)
    %jit3A = arith.constant 16 : i32
    %div3A = arith.divsi %mul3A_2, %jit3A : i32
    %sign3A = arith.constant 0 : i32
    %sign3A_8 = arith.cmpi sgt, %mul3A_2, %sign3A : i32
    %sign3A_9 = arith.extui %sign3A_8 : i1 to i32
    %sign3A_10 = arith.constant 0 : i32
    %sign3A_11 = arith.cmpi slt, %mul3A_2, %sign3A_10 : i32
    %sign3A_12 = arith.extui %sign3A_11 : i1 to i32
    %sign3A_13 = arith.subi %sign3A_9, %sign3A_12 : i32
    %sign3A_14 = arith.constant 0 : i32
    %sign3A_15 = arith.cmpi sgt, %jit3A, %sign3A_14 : i32
    %sign3A_16 = arith.extui %sign3A_15 : i1 to i32
    %sign3A_17 = arith.constant 0 : i32
    %sign3A_18 = arith.cmpi slt, %jit3A, %sign3A_17 : i32
    %sign3A_19 = arith.extui %sign3A_18 : i1 to i32
    %sign3A_20 = arith.subi %sign3A_16, %sign3A_19 : i32
    %ne3A = arith.cmpi ne, %sign3A_13, %sign3A_20 : i32
    %rem3A = arith.remsi %mul3A_2, %jit3A : i32
    %ne3A_21 = arith.constant 0 : i32
    %ne3A_22 = arith.cmpi ne, %rem3A, %ne3A_21 : i32
    %and3A = arith.andi %ne3A, %ne3A_22 : i1
    %sub3A = arith.constant 1 : i32
    %sub3A_23 = arith.subi %div3A, %sub3A : i32
    %select_n3A = arith.select %and3A, %sub3A_23, %div3A : i32
    "tpu.region"() ({
      %run_scoped3A = tpu.sem_alloc : memref<!tpu.dma_semaphore, #tpu.memory_space<semaphore_mem>>
      %dma_start3A_64 = arith.constant 0 : i32
      %dma_start3A_65 = tpu.memref_slice %arg3[%select_n3A, %dma_start3A_64] : memref<26x16384xi32, #tpu.memory_space<hbm>> -> memref<1x16384xi32, #tpu.memory_space<hbm>>
      %dma_start3A_66 = tpu.memref_squeeze %dma_start3A_65 : memref<1x16384xi32, #tpu.memory_space<hbm>> -> memref<16384xi32, #tpu.memory_space<hbm>>
      %dma_start3A_67 = arith.constant 0 : i32
      %dma_start3A_68 = tpu.memref_slice %arg3[%select_n3A, %dma_start3A_67] : memref<26x16384xi32, #tpu.memory_space<hbm>> -> memref<1x16384xi32, #tpu.memory_space<hbm>>
      %dma_start3A_69 = tpu.memref_squeeze %dma_start3A_68 : memref<1x16384xi32, #tpu.memory_space<hbm>> -> memref<16384xi32, #tpu.memory_space<hbm>>
      tpu.enqueue_dma source(%dma_start3A_69 : memref<16384xi32, #tpu.memory_space<hbm>>) target(%arg6 : memref<16384xi32, #tpu.memory_space<vmem>>) target_semaphore(%run_scoped3A : memref<!tpu.dma_semaphore, #tpu.memory_space<semaphore_mem>>)
      %dma_wait3A_70 = arith.constant 0 : i32
      %dma_wait3A_71 = tpu.memref_slice %arg3[%select_n3A, %dma_wait3A_70] : memref<26x16384xi32, #tpu.memory_space<hbm>> -> memref<1x16384xi32, #tpu.memory_space<hbm>>
      %dma_wait3A_72 = tpu.memref_squeeze %dma_wait3A_71 : memref<1x16384xi32, #tpu.memory_space<hbm>> -> memref<16384xi32, #tpu.memory_space<hbm>>
      %dma_wait3A_73 = arith.constant 0 : i32
      %dma_wait3A_74 = tpu.memref_slice %arg3[%select_n3A, %dma_wait3A_73] : memref<26x16384xi32, #tpu.memory_space<hbm>> -> memref<1x16384xi32, #tpu.memory_space<hbm>>
      %dma_wait3A_75 = tpu.memref_squeeze %dma_wait3A_74 : memref<1x16384xi32, #tpu.memory_space<hbm>> -> memref<16384xi32, #tpu.memory_space<hbm>>
      tpu.wait_dma2 semaphore(%run_scoped3A : memref<!tpu.dma_semaphore, #tpu.memory_space<semaphore_mem>>) src(%dma_wait3A_75 : memref<16384xi32, #tpu.memory_space<hbm>>) dst(%arg6 : memref<16384xi32, #tpu.memory_space<vmem>>)
      tpu.yield
    }) : () -> ()
    %jit3A_24 = arith.constant 16 : i32
    %div3A_25 = arith.divsi %mul3A_2, %jit3A_24 : i32
    %sign3A_26 = arith.constant 0 : i32
    %sign3A_27 = arith.cmpi sgt, %mul3A_2, %sign3A_26 : i32
    %sign3A_28 = arith.extui %sign3A_27 : i1 to i32
    %sign3A_29 = arith.constant 0 : i32
    %sign3A_30 = arith.cmpi slt, %mul3A_2, %sign3A_29 : i32
    %sign3A_31 = arith.extui %sign3A_30 : i1 to i32
    %sign3A_32 = arith.subi %sign3A_28, %sign3A_31 : i32
    %sign3A_33 = arith.constant 0 : i32
    %sign3A_34 = arith.cmpi sgt, %jit3A_24, %sign3A_33 : i32
    %sign3A_35 = arith.extui %sign3A_34 : i1 to i32
    %sign3A_36 = arith.constant 0 : i32
    %sign3A_37 = arith.cmpi slt, %jit3A_24, %sign3A_36 : i32
    %sign3A_38 = arith.extui %sign3A_37 : i1 to i32
    %sign3A_39 = arith.subi %sign3A_35, %sign3A_38 : i32
    %ne3A_40 = arith.cmpi ne, %sign3A_32, %sign3A_39 : i32
    %rem3A_41 = arith.remsi %mul3A_2, %jit3A_24 : i32
    %ne3A_42 = arith.constant 0 : i32
    %ne3A_43 = arith.cmpi ne, %rem3A_41, %ne3A_42 : i32
    %and3A_44 = arith.andi %ne3A_40, %ne3A_43 : i1
    %sub3A_45 = arith.constant 1 : i32
    %sub3A_46 = arith.subi %div3A_25, %sub3A_45 : i32
    %select_n3A_47 = arith.select %and3A_44, %sub3A_46, %div3A_25 : i32
    %scan3A = arith.constant 0 : i32
    %scan3A_48 = arith.constant 13 : i32
    %scan3A_49 = arith.addi %scan3A, %scan3A_48 : i32
    %scan3A_50 = arith.constant 1 : i32
    %scan3A_51 = scf.for %scan3A_64 = %scan3A to %scan3A_49 step %scan3A_50 iter_args(%scan3A_65 = %select_n3A_47) -> (i32)  : i32 {
      %add3A_66 = arith.addi %mul3A_2, %scan3A_64 : i32
      %jit3A_67 = arith.constant 16 : i32
      %div3A_68 = arith.divsi %add3A_66, %jit3A_67 : i32
      %sign3A_69 = arith.constant 0 : i32
      %sign3A_70 = arith.cmpi sgt, %add3A_66, %sign3A_69 : i32
      %sign3A_71 = arith.extui %sign3A_70 : i1 to i32
      %sign3A_72 = arith.constant 0 : i32
      %sign3A_73 = arith.cmpi slt, %add3A_66, %sign3A_72 : i32
      %sign3A_74 = arith.extui %sign3A_73 : i1 to i32
      %sign3A_75 = arith.subi %sign3A_71, %sign3A_74 : i32
      %sign3A_76 = arith.constant 0 : i32
      %sign3A_77 = arith.cmpi sgt, %jit3A_67, %sign3A_76 : i32
      %sign3A_78 = arith.extui %sign3A_77 : i1 to i32
      %sign3A_79 = arith.constant 0 : i32
      %sign3A_80 = arith.cmpi slt, %jit3A_67, %sign3A_79 : i32
      %sign3A_81 = arith.extui %sign3A_80 : i1 to i32
      %sign3A_82 = arith.subi %sign3A_78, %sign3A_81 : i32
      %ne3A_83 = arith.cmpi ne, %sign3A_75, %sign3A_82 : i32
      %rem3A_84 = arith.remsi %add3A_66, %jit3A_67 : i32
      %ne3A_85 = arith.constant 0 : i32
      %ne3A_86 = arith.cmpi ne, %rem3A_84, %ne3A_85 : i32
      %and3A_87 = arith.andi %ne3A_83, %ne3A_86 : i1
      %sub3A_88 = arith.constant 1 : i32
      %sub3A_89 = arith.subi %div3A_68, %sub3A_88 : i32
      %select_n3A_90 = arith.select %and3A_87, %sub3A_89, %div3A_68 : i32
      %dma_wait3A_91 = arith.constant 0 : i32
      %dma_wait3A_92 = tpu.memref_slice %arg2[%add3A_66, %dma_wait3A_91] : memref<416x100000xf32, #tpu.memory_space<hbm>> -> memref<1x100000xf32, #tpu.memory_space<hbm>>
      %dma_wait3A_93 = tpu.memref_squeeze %dma_wait3A_92 : memref<1x100000xf32, #tpu.memory_space<hbm>> -> memref<100000xf32, #tpu.memory_space<hbm>>
      %dma_wait3A_94 = arith.constant 0 : i32
      %dma_wait3A_95 = tpu.memref_slice %arg2[%add3A_66, %dma_wait3A_94] : memref<416x100000xf32, #tpu.memory_space<hbm>> -> memref<1x100000xf32, #tpu.memory_space<hbm>>
      %dma_wait3A_96 = tpu.memref_squeeze %dma_wait3A_95 : memref<1x100000xf32, #tpu.memory_space<hbm>> -> memref<100000xf32, #tpu.memory_space<hbm>>
      tpu.wait_dma2 semaphore(%arg9 : memref<!tpu.dma_semaphore, #tpu.memory_space<semaphore_mem>>) src(%dma_wait3A_96 : memref<100000xf32, #tpu.memory_space<hbm>>) dst(%arg5 : memref<100000xf32, #tpu.memory_space<vmem>>)
      %ne3A_97 = arith.cmpi ne, %select_n3A_90, %scan3A_65 : i32
      %convert_element_type3A = arith.extui %ne3A_97 : i1 to i32
      %cond3A = arith.constant 0 : i32
      %cond3A_98 = arith.cmpi ne, %convert_element_type3A, %cond3A : i32
      scf.if %cond3A_98 {
        "tpu.region"() ({
          %run_scoped3A = tpu.sem_alloc : memref<!tpu.dma_semaphore, #tpu.memory_space<semaphore_mem>>
          %dma_start3A_166 = arith.constant 0 : i32
          %dma_start3A_167 = tpu.memref_slice %arg3[%select_n3A_90, %dma_start3A_166] : memref<26x16384xi32, #tpu.memory_space<hbm>> -> memref<1x16384xi32, #tpu.memory_space<hbm>>
          %dma_start3A_168 = tpu.memref_squeeze %dma_start3A_167 : memref<1x16384xi32, #tpu.memory_space<hbm>> -> memref<16384xi32, #tpu.memory_space<hbm>>
          %dma_start3A_169 = arith.constant 0 : i32
          %dma_start3A_170 = tpu.memref_slice %arg3[%select_n3A_90, %dma_start3A_169] : memref<26x16384xi32, #tpu.memory_space<hbm>> -> memref<1x16384xi32, #tpu.memory_space<hbm>>
          %dma_start3A_171 = tpu.memref_squeeze %dma_start3A_170 : memref<1x16384xi32, #tpu.memory_space<hbm>> -> memref<16384xi32, #tpu.memory_space<hbm>>
          tpu.enqueue_dma source(%dma_start3A_171 : memref<16384xi32, #tpu.memory_space<hbm>>) target(%arg6 : memref<16384xi32, #tpu.memory_space<vmem>>) target_semaphore(%run_scoped3A : memref<!tpu.dma_semaphore, #tpu.memory_space<semaphore_mem>>)
          %dma_wait3A_172 = arith.constant 0 : i32
          %dma_wait3A_173 = tpu.memref_slice %arg3[%select_n3A_90, %dma_wait3A_172] : memref<26x16384xi32, #tpu.memory_space<hbm>> -> memref<1x16384xi32, #tpu.memory_space<hbm>>
          %dma_wait3A_174 = tpu.memref_squeeze %dma_wait3A_173 : memref<1x16384xi32, #tpu.memory_space<hbm>> -> memref<16384xi32, #tpu.memory_space<hbm>>
          %dma_wait3A_175 = arith.constant 0 : i32
          %dma_wait3A_176 = tpu.memref_slice %arg3[%select_n3A_90, %dma_wait3A_175] : memref<26x16384xi32, #tpu.memory_space<hbm>> -> memref<1x16384xi32, #tpu.memory_space<hbm>>
          %dma_wait3A_177 = tpu.memref_squeeze %dma_wait3A_176 : memref<1x16384xi32, #tpu.memory_space<hbm>> -> memref<16384xi32, #tpu.memory_space<hbm>>
          tpu.wait_dma2 semaphore(%run_scoped3A : memref<!tpu.dma_semaphore, #tpu.memory_space<semaphore_mem>>) src(%dma_wait3A_177 : memref<16384xi32, #tpu.memory_space<hbm>>) dst(%arg6 : memref<16384xi32, #tpu.memory_space<vmem>>)
          tpu.yield
        }) : () -> ()
      } else {
      }
      %gt3A = arith.constant 0 : i32
      %gt3A_99 = arith.cmpi sgt, %scan3A_64, %gt3A : i32
      %or3A = arith.constant false
      %or3A_100 = arith.ori %gt3A_99, %or3A : i1
      %convert_element_type3A_101 = arith.extui %or3A_100 : i1 to i32
      %cond3A_102 = arith.constant 0 : i32
      %cond3A_103 = arith.cmpi ne, %convert_element_type3A_101, %cond3A_102 : i32
      scf.if %cond3A_103 {
        %dma_wait3A_166 = arith.constant 0 : i32
        %dma_wait3A_167 = tpu.memref_slice %arg4[%add3A_66, %dma_wait3A_166] : memref<416x16384xf32, #tpu.memory_space<hbm>> -> memref<1x4096xf32, #tpu.memory_space<hbm>>
        %dma_wait3A_168 = tpu.memref_squeeze %dma_wait3A_167 : memref<1x4096xf32, #tpu.memory_space<hbm>> -> memref<4096xf32, #tpu.memory_space<hbm>>
        %dma_wait3A_169 = arith.constant 0 : i32
        %dma_wait3A_170 = tpu.memref_slice %arg4[%add3A_66, %dma_wait3A_169] : memref<416x16384xf32, #tpu.memory_space<hbm>> -> memref<1x4096xf32, #tpu.memory_space<hbm>>
        %dma_wait3A_171 = tpu.memref_squeeze %dma_wait3A_170 : memref<1x4096xf32, #tpu.memory_space<hbm>> -> memref<4096xf32, #tpu.memory_space<hbm>>
        tpu.wait_dma2 semaphore(%arg10 : memref<!tpu.dma_semaphore, #tpu.memory_space<semaphore_mem>>) src(%arg7 : memref<4096xf32, #tpu.memory_space<vmem>>) dst(%dma_wait3A_171 : memref<4096xf32, #tpu.memory_space<hbm>>)
      } else {
      }
      %parallel_loop3A = arith.constant 0 : i32
      %parallel_loop3A_104 = arith.constant 4096 : i32
      %parallel_loop3A_105 = arith.constant 16 : i32
      scf.for %parallel_loop3A_166 = %parallel_loop3A to %parallel_loop3A_104 step %parallel_loop3A_105  : i32 {
        %parallel_loop3A_167 = arith.constant 0 : i32
        %parallel_loop3A_168 = arith.addi %parallel_loop3A_167, %parallel_loop3A_166 : i32
        %parallel_loop3A_169 = arith.index_cast %parallel_loop3A_168 : i32 to index
        %parallel_loop3A_170 = tpu.vector_load %arg6[%parallel_loop3A_169] {strides = array<i32>} : memref<16384xi32, #tpu.memory_space<vmem>>, vector<16xi32>,
        %parallel_loop3A_171 = tpu.vector_load_idx %arg5[%parallel_loop3A_170] : memref<100000xf32, #tpu.memory_space<vmem>>[vector<16xi32>], vector<16xf32>,
        %parallel_loop3A_172 = arith.index_cast %parallel_loop3A_166 : i32 to index
        %parallel_loop3A_173 = tpu.vector_load %arg7[%parallel_loop3A_172] {strides = array<i32>} : memref<4096xf32, #tpu.memory_space<vmem>>, vector<16xf32>,
        tpu.vector_store %arg7[%parallel_loop3A_172], %parallel_loop3A_171 {strides = array<i32>} : memref<4096xf32, #tpu.memory_space<vmem>>, vector<16xf32>,
      } {sc.loop_unroll_factor = 8 : i64, sc.parallel_access}
      %dma_start3A_106 = arith.constant 0 : i32
      %dma_start3A_107 = tpu.memref_slice %arg4[%add3A_66, %dma_start3A_106] : memref<416x16384xf32, #tpu.memory_space<hbm>> -> memref<1x4096xf32, #tpu.memory_space<hbm>>
      %dma_start3A_108 = tpu.memref_squeeze %dma_start3A_107 : memref<1x4096xf32, #tpu.memory_space<hbm>> -> memref<4096xf32, #tpu.memory_space<hbm>>
      %dma_start3A_109 = arith.constant 0 : i32
      %dma_start3A_110 = tpu.memref_slice %arg4[%add3A_66, %dma_start3A_109] : memref<416x16384xf32, #tpu.memory_space<hbm>> -> memref<1x4096xf32, #tpu.memory_space<hbm>>
      %dma_start3A_111 = tpu.memref_squeeze %dma_start3A_110 : memref<1x4096xf32, #tpu.memory_space<hbm>> -> memref<4096xf32, #tpu.memory_space<hbm>>
      tpu.enqueue_dma source(%arg7 : memref<4096xf32, #tpu.memory_space<vmem>>) target(%dma_start3A_111 : memref<4096xf32, #tpu.memory_space<hbm>>) target_semaphore(%arg10 : memref<!tpu.dma_semaphore, #tpu.memory_space<semaphore_mem>>)
      %gt3A_112 = arith.constant 0 : i32
      %gt3A_113 = arith.cmpi sgt, %scan3A_64, %gt3A_112 : i32
      %or3A_114 = arith.constant false
      %or3A_115 = arith.ori %gt3A_113, %or3A_114 : i1
      %convert_element_type3A_116 = arith.extui %or3A_115 : i1 to i32
      %cond3A_117 = arith.constant 0 : i32
      %cond3A_118 = arith.cmpi ne, %convert_element_type3A_116, %cond3A_117 : i32
      scf.if %cond3A_118 {
        %dma_wait3A_166 = arith.constant 4096 : i32
        %dma_wait3A_167 = tpu.memref_slice %arg4[%add3A_66, %dma_wait3A_166] : memref<416x16384xf32, #tpu.memory_space<hbm>> -> memref<1x4096xf32, #tpu.memory_space<hbm>>
        %dma_wait3A_168 = tpu.memref_squeeze %dma_wait3A_167 : memref<1x4096xf32, #tpu.memory_space<hbm>> -> memref<4096xf32, #tpu.memory_space<hbm>>
        %dma_wait3A_169 = arith.constant 4096 : i32
        %dma_wait3A_170 = tpu.memref_slice %arg4[%add3A_66, %dma_wait3A_169] : memref<416x16384xf32, #tpu.memory_space<hbm>> -> memref<1x4096xf32, #tpu.memory_space<hbm>>
        %dma_wait3A_171 = tpu.memref_squeeze %dma_wait3A_170 : memref<1x4096xf32, #tpu.memory_space<hbm>> -> memref<4096xf32, #tpu.memory_space<hbm>>
        tpu.wait_dma2 semaphore(%arg11 : memref<!tpu.dma_semaphore, #tpu.memory_space<semaphore_mem>>) src(%arg8 : memref<4096xf32, #tpu.memory_space<vmem>>) dst(%dma_wait3A_171 : memref<4096xf32, #tpu.memory_space<hbm>>)
      } else {
      }
      %parallel_loop3A_119 = arith.constant 0 : i32
      %parallel_loop3A_120 = arith.constant 4096 : i32
      %parallel_loop3A_121 = arith.constant 16 : i32
      scf.for %parallel_loop3A_166 = %parallel_loop3A_119 to %parallel_loop3A_120 step %parallel_loop3A_121  : i32 {
        %parallel_loop3A_167 = arith.constant 4096 : i32
        %parallel_loop3A_168 = arith.addi %parallel_loop3A_167, %parallel_loop3A_166 : i32
        %parallel_loop3A_169 = arith.index_cast %parallel_loop3A_168 : i32 to index
        %parallel_loop3A_170 = tpu.vector_load %arg6[%parallel_loop3A_169] {strides = array<i32>} : memref<16384xi32, #tpu.memory_space<vmem>>, vector<16xi32>,
        %parallel_loop3A_171 = tpu.vector_load_idx %arg5[%parallel_loop3A_170] : memref<100000xf32, #tpu.memory_space<vmem>>[vector<16xi32>], vector<16xf32>,
        %parallel_loop3A_172 = arith.index_cast %parallel_loop3A_166 : i32 to index
        %parallel_loop3A_173 = tpu.vector_load %arg8[%parallel_loop3A_172] {strides = array<i32>} : memref<4096xf32, #tpu.memory_space<vmem>>, vector<16xf32>,
        tpu.vector_store %arg8[%parallel_loop3A_172], %parallel_loop3A_171 {strides = array<i32>} : memref<4096xf32, #tpu.memory_space<vmem>>, vector<16xf32>,
      } {sc.loop_unroll_factor = 8 : i64, sc.parallel_access}
      %dma_start3A_122 = arith.constant 4096 : i32
      %dma_start3A_123 = tpu.memref_slice %arg4[%add3A_66, %dma_start3A_122] : memref<416x16384xf32, #tpu.memory_space<hbm>> -> memref<1x4096xf32, #tpu.memory_space<hbm>>
      %dma_start3A_124 = tpu.memref_squeeze %dma_start3A_123 : memref<1x4096xf32, #tpu.memory_space<hbm>> -> memref<4096xf32, #tpu.memory_space<hbm>>
      %dma_start3A_125 = arith.constant 4096 : i32
      %dma_start3A_126 = tpu.memref_slice %arg4[%add3A_66, %dma_start3A_125] : memref<416x16384xf32, #tpu.memory_space<hbm>> -> memref<1x4096xf32, #tpu.memory_space<hbm>>
      %dma_start3A_127 = tpu.memref_squeeze %dma_start3A_126 : memref<1x4096xf32, #tpu.memory_space<hbm>> -> memref<4096xf32, #tpu.memory_space<hbm>>
      tpu.enqueue_dma source(%arg8 : memref<4096xf32, #tpu.memory_space<vmem>>) target(%dma_start3A_127 : memref<4096xf32, #tpu.memory_space<hbm>>) target_semaphore(%arg11 : memref<!tpu.dma_semaphore, #tpu.memory_space<semaphore_mem>>)
      %gt3A_128 = arith.constant 0 : i32
      %gt3A_129 = arith.cmpi sgt, %scan3A_64, %gt3A_128 : i32
      %or3A_130 = arith.constant true
      %or3A_131 = arith.ori %gt3A_129, %or3A_130 : i1
      %convert_element_type3A_132 = arith.extui %or3A_131 : i1 to i32
      %cond3A_133 = arith.constant 0 : i32
      %cond3A_134 = arith.cmpi ne, %convert_element_type3A_132, %cond3A_133 : i32
      scf.if %cond3A_134 {
        %dma_wait3A_166 = arith.constant 8192 : i32
        %dma_wait3A_167 = tpu.memref_slice %arg4[%add3A_66, %dma_wait3A_166] : memref<416x16384xf32, #tpu.memory_space<hbm>> -> memref<1x4096xf32, #tpu.memory_space<hbm>>
        %dma_wait3A_168 = tpu.memref_squeeze %dma_wait3A_167 : memref<1x4096xf32, #tpu.memory_space<hbm>> -> memref<4096xf32, #tpu.memory_space<hbm>>
        %dma_wait3A_169 = arith.constant 8192 : i32
        %dma_wait3A_170 = tpu.memref_slice %arg4[%add3A_66, %dma_wait3A_169] : memref<416x16384xf32, #tpu.memory_space<hbm>> -> memref<1x4096xf32, #tpu.memory_space<hbm>>
        %dma_wait3A_171 = tpu.memref_squeeze %dma_wait3A_170 : memref<1x4096xf32, #tpu.memory_space<hbm>> -> memref<4096xf32, #tpu.memory_space<hbm>>
        tpu.wait_dma2 semaphore(%arg10 : memref<!tpu.dma_semaphore, #tpu.memory_space<semaphore_mem>>) src(%arg7 : memref<4096xf32, #tpu.memory_space<vmem>>) dst(%dma_wait3A_171 : memref<4096xf32, #tpu.memory_space<hbm>>)
      } else {
      }
      %parallel_loop3A_135 = arith.constant 0 : i32
      %parallel_loop3A_136 = arith.constant 4096 : i32
      %parallel_loop3A_137 = arith.constant 16 : i32
      scf.for %parallel_loop3A_166 = %parallel_loop3A_135 to %parallel_loop3A_136 step %parallel_loop3A_137  : i32 {
        %parallel_loop3A_167 = arith.constant 8192 : i32
        %parallel_loop3A_168 = arith.addi %parallel_loop3A_167, %parallel_loop3A_166 : i32
        %parallel_loop3A_169 = arith.index_cast %parallel_loop3A_168 : i32 to index
        %parallel_loop3A_170 = tpu.vector_load %arg6[%parallel_loop3A_169] {strides = array<i32>} : memref<16384xi32, #tpu.memory_space<vmem>>, vector<16xi32>,
        %parallel_loop3A_171 = tpu.vector_load_idx %arg5[%parallel_loop3A_170] : memref<100000xf32, #tpu.memory_space<vmem>>[vector<16xi32>], vector<16xf32>,
        %parallel_loop3A_172 = arith.index_cast %parallel_loop3A_166 : i32 to index
        %parallel_loop3A_173 = tpu.vector_load %arg7[%parallel_loop3A_172] {strides = array<i32>} : memref<4096xf32, #tpu.memory_space<vmem>>, vector<16xf32>,
        tpu.vector_store %arg7[%parallel_loop3A_172], %parallel_loop3A_171 {strides = array<i32>} : memref<4096xf32, #tpu.memory_space<vmem>>, vector<16xf32>,
      } {sc.loop_unroll_factor = 8 : i64, sc.parallel_access}
      %dma_start3A_138 = arith.constant 8192 : i32
      %dma_start3A_139 = tpu.memref_slice %arg4[%add3A_66, %dma_start3A_138] : memref<416x16384xf32, #tpu.memory_space<hbm>> -> memref<1x4096xf32, #tpu.memory_space<hbm>>
      %dma_start3A_140 = tpu.memref_squeeze %dma_start3A_139 : memref<1x4096xf32, #tpu.memory_space<hbm>> -> memref<4096xf32, #tpu.memory_space<hbm>>
      %dma_start3A_141 = arith.constant 8192 : i32
      %dma_start3A_142 = tpu.memref_slice %arg4[%add3A_66, %dma_start3A_141] : memref<416x16384xf32, #tpu.memory_space<hbm>> -> memref<1x4096xf32, #tpu.memory_space<hbm>>
      %dma_start3A_143 = tpu.memref_squeeze %dma_start3A_142 : memref<1x4096xf32, #tpu.memory_space<hbm>> -> memref<4096xf32, #tpu.memory_space<hbm>>
      tpu.enqueue_dma source(%arg7 : memref<4096xf32, #tpu.memory_space<vmem>>) target(%dma_start3A_143 : memref<4096xf32, #tpu.memory_space<hbm>>) target_semaphore(%arg10 : memref<!tpu.dma_semaphore, #tpu.memory_space<semaphore_mem>>)
      %gt3A_144 = arith.constant 0 : i32
      %gt3A_145 = arith.cmpi sgt, %scan3A_64, %gt3A_144 : i32
      %or3A_146 = arith.constant true
      %or3A_147 = arith.ori %gt3A_145, %or3A_146 : i1
      %convert_element_type3A_148 = arith.extui %or3A_147 : i1 to i32
      %cond3A_149 = arith.constant 0 : i32
      %cond3A_150 = arith.cmpi ne, %convert_element_type3A_148, %cond3A_149 : i32
      scf.if %cond3A_150 {
        %dma_wait3A_166 = arith.constant 12288 : i32
        %dma_wait3A_167 = tpu.memref_slice %arg4[%add3A_66, %dma_wait3A_166] : memref<416x16384xf32, #tpu.memory_space<hbm>> -> memref<1x4096xf32, #tpu.memory_space<hbm>>
        %dma_wait3A_168 = tpu.memref_squeeze %dma_wait3A_167 : memref<1x4096xf32, #tpu.memory_space<hbm>> -> memref<4096xf32, #tpu.memory_space<hbm>>
        %dma_wait3A_169 = arith.constant 12288 : i32
        %dma_wait3A_170 = tpu.memref_slice %arg4[%add3A_66, %dma_wait3A_169] : memref<416x16384xf32, #tpu.memory_space<hbm>> -> memref<1x4096xf32, #tpu.memory_space<hbm>>
        %dma_wait3A_171 = tpu.memref_squeeze %dma_wait3A_170 : memref<1x4096xf32, #tpu.memory_space<hbm>> -> memref<4096xf32, #tpu.memory_space<hbm>>
        tpu.wait_dma2 semaphore(%arg11 : memref<!tpu.dma_semaphore, #tpu.memory_space<semaphore_mem>>) src(%arg8 : memref<4096xf32, #tpu.memory_space<vmem>>) dst(%dma_wait3A_171 : memref<4096xf32, #tpu.memory_space<hbm>>)
      } else {
      }
      %parallel_loop3A_151 = arith.constant 0 : i32
      %parallel_loop3A_152 = arith.constant 4096 : i32
      %parallel_loop3A_153 = arith.constant 16 : i32
      scf.for %parallel_loop3A_166 = %parallel_loop3A_151 to %parallel_loop3A_152 step %parallel_loop3A_153  : i32 {
        %parallel_loop3A_167 = arith.constant 12288 : i32
        %parallel_loop3A_168 = arith.addi %parallel_loop3A_167, %parallel_loop3A_166 : i32
        %parallel_loop3A_169 = arith.index_cast %parallel_loop3A_168 : i32 to index
        %parallel_loop3A_170 = tpu.vector_load %arg6[%parallel_loop3A_169] {strides = array<i32>} : memref<16384xi32, #tpu.memory_space<vmem>>, vector<16xi32>,
        %parallel_loop3A_171 = tpu.vector_load_idx %arg5[%parallel_loop3A_170] : memref<100000xf32, #tpu.memory_space<vmem>>[vector<16xi32>], vector<16xf32>,
        %parallel_loop3A_172 = arith.index_cast %parallel_loop3A_166 : i32 to index
        %parallel_loop3A_173 = tpu.vector_load %arg8[%parallel_loop3A_172] {strides = array<i32>} : memref<4096xf32, #tpu.memory_space<vmem>>, vector<16xf32>,
        tpu.vector_store %arg8[%parallel_loop3A_172], %parallel_loop3A_171 {strides = array<i32>} : memref<4096xf32, #tpu.memory_space<vmem>>, vector<16xf32>,
      } {sc.loop_unroll_factor = 8 : i64, sc.parallel_access}
      %add3A_154 = arith.constant 1 : i32
      %add3A_155 = arith.addi %scan3A_64, %add3A_154 : i32
      %lt3A = arith.constant 13 : i32
      %lt3A_156 = arith.cmpi slt, %add3A_155, %lt3A : i32
      %convert_element_type3A_157 = arith.extui %lt3A_156 : i1 to i32
      %cond3A_158 = arith.constant 0 : i32
      %cond3A_159 = arith.cmpi ne, %convert_element_type3A_157, %cond3A_158 : i32
      scf.if %cond3A_159 {
        %add3A_166 = arith.constant 1 : i32
        %add3A_167 = arith.addi %add3A_66, %add3A_166 : i32
        %dma_start3A_168 = arith.constant 0 : i32
        %dma_start3A_169 = tpu.memref_slice %arg2[%add3A_167, %dma_start3A_168] : memref<416x100000xf32, #tpu.memory_space<hbm>> -> memref<1x100000xf32, #tpu.memory_space<hbm>>
        %dma_start3A_170 = tpu.memref_squeeze %dma_start3A_169 : memref<1x100000xf32, #tpu.memory_space<hbm>> -> memref<100000xf32, #tpu.memory_space<hbm>>
        %dma_start3A_171 = arith.constant 0 : i32
        %dma_start3A_172 = tpu.memref_slice %arg2[%add3A_167, %dma_start3A_171] : memref<416x100000xf32, #tpu.memory_space<hbm>> -> memref<1x100000xf32, #tpu.memory_space<hbm>>
        %dma_start3A_173 = tpu.memref_squeeze %dma_start3A_172 : memref<1x100000xf32, #tpu.memory_space<hbm>> -> memref<100000xf32, #tpu.memory_space<hbm>>
        tpu.enqueue_dma source(%dma_start3A_173 : memref<100000xf32, #tpu.memory_space<hbm>>) target(%arg5 : memref<100000xf32, #tpu.memory_space<vmem>>) target_semaphore(%arg9 : memref<!tpu.dma_semaphore, #tpu.memory_space<semaphore_mem>>)
      } else {
      }
      %dma_start3A_160 = arith.constant 12288 : i32
      %dma_start3A_161 = tpu.memref_slice %arg4[%add3A_66, %dma_start3A_160] : memref<416x16384xf32, #tpu.memory_space<hbm>> -> memref<1x4096xf32, #tpu.memory_space<hbm>>
      %dma_start3A_162 = tpu.memref_squeeze %dma_start3A_161 : memref<1x4096xf32, #tpu.memory_space<hbm>> -> memref<4096xf32, #tpu.memory_space<hbm>>
      %dma_start3A_163 = arith.constant 12288 : i32
      %dma_start3A_164 = tpu.memref_slice %arg4[%add3A_66, %dma_start3A_163] : memref<416x16384xf32, #tpu.memory_space<hbm>> -> memref<1x4096xf32, #tpu.memory_space<hbm>>
      %dma_start3A_165 = tpu.memref_squeeze %dma_start3A_164 : memref<1x4096xf32, #tpu.memory_space<hbm>> -> memref<4096xf32, #tpu.memory_space<hbm>>
      tpu.enqueue_dma source(%arg8 : memref<4096xf32, #tpu.memory_space<vmem>>) target(%dma_start3A_165 : memref<4096xf32, #tpu.memory_space<hbm>>) target_semaphore(%arg11 : memref<!tpu.dma_semaphore, #tpu.memory_space<semaphore_mem>>)
      scf.yield %select_n3A_90 : i32
    }
    %scan3A_52 = arith.constant 13 : i32
    %dma_wait3A = arith.constant 0 : i32
    %dma_wait3A_53 = tpu.memref_slice %arg4[%mul3A_2, %dma_wait3A] : memref<416x16384xf32, #tpu.memory_space<hbm>> -> memref<1x4096xf32, #tpu.memory_space<hbm>>
    %dma_wait3A_54 = tpu.memref_squeeze %dma_wait3A_53 : memref<1x4096xf32, #tpu.memory_space<hbm>> -> memref<4096xf32, #tpu.memory_space<hbm>>
    %dma_wait3A_55 = arith.constant 0 : i32
    %dma_wait3A_56 = tpu.memref_slice %arg4[%mul3A_2, %dma_wait3A_55] : memref<416x16384xf32, #tpu.memory_space<hbm>> -> memref<1x4096xf32, #tpu.memory_space<hbm>>
    %dma_wait3A_57 = tpu.memref_squeeze %dma_wait3A_56 : memref<1x4096xf32, #tpu.memory_space<hbm>> -> memref<4096xf32, #tpu.memory_space<hbm>>
    tpu.wait_dma2 semaphore(%arg10 : memref<!tpu.dma_semaphore, #tpu.memory_space<semaphore_mem>>) src(%arg7 : memref<4096xf32, #tpu.memory_space<vmem>>) dst(%dma_wait3A_57 : memref<4096xf32, #tpu.memory_space<hbm>>)
    %dma_wait3A_58 = arith.constant 4096 : i32
    %dma_wait3A_59 = tpu.memref_slice %arg4[%mul3A_2, %dma_wait3A_58] : memref<416x16384xf32, #tpu.memory_space<hbm>> -> memref<1x4096xf32, #tpu.memory_space<hbm>>
    %dma_wait3A_60 = tpu.memref_squeeze %dma_wait3A_59 : memref<1x4096xf32, #tpu.memory_space<hbm>> -> memref<4096xf32, #tpu.memory_space<hbm>>
    %dma_wait3A_61 = arith.constant 4096 : i32
    %dma_wait3A_62 = tpu.memref_slice %arg4[%mul3A_2, %dma_wait3A_61] : memref<416x16384xf32, #tpu.memory_space<hbm>> -> memref<1x4096xf32, #tpu.memory_space<hbm>>
    %dma_wait3A_63 = tpu.memref_squeeze %dma_wait3A_62 : memref<1x4096xf32, #tpu.memory_space<hbm>> -> memref<4096xf32, #tpu.memory_space<hbm>>
    tpu.wait_dma2 semaphore(%arg11 : memref<!tpu.dma_semaphore, #tpu.memory_space<semaphore_mem>>) src(%arg8 : memref<4096xf32, #tpu.memory_space<vmem>>) dst(%dma_wait3A_63 : memref<4096xf32, #tpu.memory_space<hbm>>)
    return
  }
}

module attributes {stable_mosaic.version = 14 : i64} {
  func.func @_mlp_body(%arg0: i32, %arg1: memref<13x4096xf32, #tpu.memory_space<vmem>>, %arg2: memref<416x4096xf32, #tpu.memory_space<vmem>>, %arg3: memref<256x13xf32, #tpu.memory_space<vmem>>, %arg4: memref<256x416xbf16, #tpu.memory_space<vmem>>, %arg5: memref<256x1xf32, #tpu.memory_space<vmem>>, %arg6: memref<128x256xf32, #tpu.memory_space<vmem>>, %arg7: memref<128x1xf32, #tpu.memory_space<vmem>>, %arg8: memref<64x128xf32, #tpu.memory_space<vmem>>, %arg9: memref<64x1xf32, #tpu.memory_space<vmem>>, %arg10: memref<1x64xf32, #tpu.memory_space<vmem>>, %arg11: memref<1x1xf32, #tpu.memory_space<vmem>>, %arg12: memref<256x13xf32, #tpu.memory_space<vmem>>, %arg13: memref<256x416xbf16, #tpu.memory_space<vmem>>, %arg14: memref<256x1xf32, #tpu.memory_space<vmem>>, %arg15: memref<128x256xf32, #tpu.memory_space<vmem>>, %arg16: memref<128x1xf32, #tpu.memory_space<vmem>>, %arg17: memref<64x128xf32, #tpu.memory_space<vmem>>, %arg18: memref<64x1xf32, #tpu.memory_space<vmem>>, %arg19: memref<1x64xf32, #tpu.memory_space<vmem>>, %arg20: memref<1x1xf32, #tpu.memory_space<vmem>>, %arg21: memref<1x4096xf32, #tpu.memory_space<vmem>>, %arg22: memref<1x4096xf32, #tpu.memory_space<vmem>>) attributes {dimension_semantics = [#tpu.dimension_semantics<arbitrary>], iteration_bounds = array<i64: 4>, scalar_prefetch = 0 : i64, scratch_operands = 0 : i64, tpu.core_type = #tpu.core_type<tc>, window_params = [{transform_indices = @transform_0, window_bounds = array<i64: 13, 4096>}, {transform_indices = @transform_1, window_bounds = array<i64: 416, 4096>}, {pipeline_mode = #tpu.pipeline_mode<synchronous>, transform_indices = @transform_2, window_bounds = array<i64: 256, 13>}, {pipeline_mode = #tpu.pipeline_mode<synchronous>, transform_indices = @transform_3, window_bounds = array<i64: 256, 416>}, {pipeline_mode = #tpu.pipeline_mode<synchronous>, transform_indices = @transform_4, window_bounds = array<i64: 256, 1>}, {pipeline_mode = #tpu.pipeline_mode<synchronous>, transform_indices = @transform_5, window_bounds = array<i64: 128, 256>}, {pipeline_mode = #tpu.pipeline_mode<synchronous>, transform_indices = @transform_6, window_bounds = array<i64: 128, 1>}, {pipeline_mode = #tpu.pipeline_mode<synchronous>, transform_indices = @transform_7, window_bounds = array<i64: 64, 128>}, {pipeline_mode = #tpu.pipeline_mode<synchronous>, transform_indices = @transform_8, window_bounds = array<i64: 64, 1>}, {pipeline_mode = #tpu.pipeline_mode<synchronous>, transform_indices = @transform_9, window_bounds = array<i64: 1, 64>}, {pipeline_mode = #tpu.pipeline_mode<synchronous>, transform_indices = @transform_10, window_bounds = array<i64: 1, 1>}, {pipeline_mode = #tpu.pipeline_mode<synchronous>, transform_indices = @transform_11, window_bounds = array<i64: 256, 13>}, {pipeline_mode = #tpu.pipeline_mode<synchronous>, transform_indices = @transform_12, window_bounds = array<i64: 256, 416>}, {pipeline_mode = #tpu.pipeline_mode<synchronous>, transform_indices = @transform_13, window_bounds = array<i64: 256, 1>}, {pipeline_mode = #tpu.pipeline_mode<synchronous>, transform_indices = @transform_14, window_bounds = array<i64: 128, 256>}, {pipeline_mode = #tpu.pipeline_mode<synchronous>, transform_indices = @transform_15, window_bounds = array<i64: 128, 1>}, {pipeline_mode = #tpu.pipeline_mode<synchronous>, transform_indices = @transform_16, window_bounds = array<i64: 64, 128>}, {pipeline_mode = #tpu.pipeline_mode<synchronous>, transform_indices = @transform_17, window_bounds = array<i64: 64, 1>}, {pipeline_mode = #tpu.pipeline_mode<synchronous>, transform_indices = @transform_18, window_bounds = array<i64: 1, 64>}, {pipeline_mode = #tpu.pipeline_mode<synchronous>, transform_indices = @transform_19, window_bounds = array<i64: 1, 1>}, {transform_indices = @transform_20, window_bounds = array<i64: 1, 4096>}, {transform_indices = @transform_21, window_bounds = array<i64: 1, 4096>}]} {
    %get3A = arith.constant 0 : index
    %get3A_0 = arith.constant 0 : index
    %get3A_1 = vector.load %arg1[%get3A, %get3A_0] : memref<13x4096xf32, #tpu.memory_space<vmem>>, vector<13x4096xf32>
    %get3A_2 = arith.constant 0 : index
    %get3A_3 = arith.constant 0 : index
    %get3A_4 = vector.load %arg2[%get3A_2, %get3A_3] : memref<416x4096xf32, #tpu.memory_space<vmem>>, vector<416x4096xf32>
    %convert_element_type3A = arith.truncf %get3A_4 : vector<416x4096xf32> to vector<416x4096xbf16>
    %get3A_5 = arith.constant 0 : index
    %get3A_6 = arith.constant 0 : index
    %get3A_7 = vector.load %arg4[%get3A_5, %get3A_6] : memref<256x416xbf16, #tpu.memory_space<vmem>>, vector<256x416xbf16>
    %dot_general3A = arith.constant dense<0.000000e+00> : vector<256x4096xf32>
    %dot_general3A_8 = tpu.matmul %get3A_7, %convert_element_type3A, %dot_general3A {dimension_numbers = #tpu.dot_dimension_numbers<[1], [0], [0], [1], [0, 0, 1, 1], [], []>, transpose_lhs_hint = false} : vector<256x416xbf16>, vector<416x4096xbf16>, vector<256x4096xf32> -> vector<256x4096xf32>
    %get3A_9 = arith.constant 0 : index
    %get3A_10 = arith.constant 0 : index
    %get3A_11 = vector.load %arg3[%get3A_9, %get3A_10] : memref<256x13xf32, #tpu.memory_space<vmem>>, vector<256x13xf32>
    %dot_general3A_12 = arith.constant dense<0.000000e+00> : vector<256x4096xf32>
    %dot_general3A_13 = tpu.matmul %get3A_11, %get3A_1, %dot_general3A_12 {dimension_numbers = #tpu.dot_dimension_numbers<[1], [0], [0], [1], [0, 0, 1, 1], [], []>, transpose_lhs_hint = false} : vector<256x13xf32>, vector<13x4096xf32>, vector<256x4096xf32> -> vector<256x4096xf32>
    %add3A = arith.addf %dot_general3A_8, %dot_general3A_13 : vector<256x4096xf32>
    %get3A_14 = arith.constant 0 : index
    %get3A_15 = arith.constant 0 : index
    %get3A_16 = vector.load %arg5[%get3A_14, %get3A_15] : memref<256x1xf32, #tpu.memory_space<vmem>>, vector<256x1xf32>
    %add3A_17 = vector.broadcast %get3A_16 : vector<256x1xf32> to vector<256x4096xf32>
    %add3A_18 = arith.addf %add3A, %add3A_17 : vector<256x4096xf32>
    %max3A = arith.constant 0.000000e+00 : f32
    %max3A_19 = vector.broadcast %max3A : f32 to vector<256x4096xf32>
    %max3A_20 = arith.maximumf %add3A_18, %max3A_19 : vector<256x4096xf32>
    %get3A_21 = arith.constant 0 : index
    %get3A_22 = arith.constant 0 : index
    %get3A_23 = vector.load %arg6[%get3A_21, %get3A_22] : memref<128x256xf32, #tpu.memory_space<vmem>>, vector<128x256xf32>
    %dot_general3A_24 = arith.constant dense<0.000000e+00> : vector<128x4096xf32>
    %dot_general3A_25 = tpu.matmul %get3A_23, %max3A_20, %dot_general3A_24 {dimension_numbers = #tpu.dot_dimension_numbers<[1], [0], [0], [1], [0, 0, 1, 1], [], []>, transpose_lhs_hint = false} : vector<128x256xf32>, vector<256x4096xf32>, vector<128x4096xf32> -> vector<128x4096xf32>
    %get3A_26 = arith.constant 0 : index
    %get3A_27 = arith.constant 0 : index
    %get3A_28 = vector.load %arg7[%get3A_26, %get3A_27] : memref<128x1xf32, #tpu.memory_space<vmem>>, vector<128x1xf32>
    %add3A_29 = vector.broadcast %get3A_28 : vector<128x1xf32> to vector<128x4096xf32>
    %add3A_30 = arith.addf %dot_general3A_25, %add3A_29 : vector<128x4096xf32>
    %max3A_31 = arith.constant 0.000000e+00 : f32
    %max3A_32 = vector.broadcast %max3A_31 : f32 to vector<128x4096xf32>
    %max3A_33 = arith.maximumf %add3A_30, %max3A_32 : vector<128x4096xf32>
    %get3A_34 = arith.constant 0 : index
    %get3A_35 = arith.constant 0 : index
    %get3A_36 = vector.load %arg8[%get3A_34, %get3A_35] : memref<64x128xf32, #tpu.memory_space<vmem>>, vector<64x128xf32>
    %dot_general3A_37 = arith.constant dense<0.000000e+00> : vector<64x4096xf32>
    %dot_general3A_38 = tpu.matmul %get3A_36, %max3A_33, %dot_general3A_37 {dimension_numbers = #tpu.dot_dimension_numbers<[1], [0], [0], [1], [0, 0, 1, 1], [], []>, transpose_lhs_hint = false} : vector<64x128xf32>, vector<128x4096xf32>, vector<64x4096xf32> -> vector<64x4096xf32>
    %get3A_39 = arith.constant 0 : index
    %get3A_40 = arith.constant 0 : index
    %get3A_41 = vector.load %arg9[%get3A_39, %get3A_40] : memref<64x1xf32, #tpu.memory_space<vmem>>, vector<64x1xf32>
    %add3A_42 = vector.broadcast %get3A_41 : vector<64x1xf32> to vector<64x4096xf32>
    %add3A_43 = arith.addf %dot_general3A_38, %add3A_42 : vector<64x4096xf32>
    %max3A_44 = arith.constant 0.000000e+00 : f32
    %max3A_45 = vector.broadcast %max3A_44 : f32 to vector<64x4096xf32>
    %max3A_46 = arith.maximumf %add3A_43, %max3A_45 : vector<64x4096xf32>
    %get3A_47 = arith.constant 0 : index
    %get3A_48 = arith.constant 0 : index
    %get3A_49 = vector.load %arg10[%get3A_47, %get3A_48] : memref<1x64xf32, #tpu.memory_space<vmem>>, vector<1x64xf32>
    %dot_general3A_50 = arith.constant dense<0.000000e+00> : vector<1x4096xf32>
    %dot_general3A_51 = tpu.matmul %get3A_49, %max3A_46, %dot_general3A_50 {dimension_numbers = #tpu.dot_dimension_numbers<[1], [0], [0], [1], [0, 0, 1, 1], [], []>, transpose_lhs_hint = false} : vector<1x64xf32>, vector<64x4096xf32>, vector<1x4096xf32> -> vector<1x4096xf32>
    %get3A_52 = arith.constant 0 : index
    %get3A_53 = arith.constant 0 : index
    %get3A_54 = vector.load %arg11[%get3A_52, %get3A_53] : memref<1x1xf32, #tpu.memory_space<vmem>>, vector<1x1xf32>
    %add3A_55 = vector.broadcast %get3A_54 : vector<1x1xf32> to vector<1x4096xf32>
    %add3A_56 = arith.addf %dot_general3A_51, %add3A_55 : vector<1x4096xf32>
    %logistic3A = arith.negf %add3A_56 : vector<1x4096xf32>
    %logistic3A_57 = math.exp %logistic3A : vector<1x4096xf32>
    %logistic3A_58 = arith.constant 1.000000e+00 : f32
    %logistic3A_59 = vector.broadcast %logistic3A_58 : f32 to vector<1x4096xf32>
    %logistic3A_60 = arith.addf %logistic3A_59, %logistic3A_57 : vector<1x4096xf32>
    %logistic3A_61 = arith.divf %logistic3A_59, %logistic3A_60 : vector<1x4096xf32>
    %get3A_62 = arith.constant 0 : index
    %get3A_63 = arith.constant 0 : index
    %get3A_64 = vector.load %arg13[%get3A_62, %get3A_63] : memref<256x416xbf16, #tpu.memory_space<vmem>>, vector<256x416xbf16>
    %dot_general3A_65 = arith.constant dense<0.000000e+00> : vector<256x4096xf32>
    %dot_general3A_66 = tpu.matmul %get3A_64, %convert_element_type3A, %dot_general3A_65 {dimension_numbers = #tpu.dot_dimension_numbers<[1], [0], [0], [1], [0, 0, 1, 1], [], []>, transpose_lhs_hint = false} : vector<256x416xbf16>, vector<416x4096xbf16>, vector<256x4096xf32> -> vector<256x4096xf32>
    %get3A_67 = arith.constant 0 : index
    %get3A_68 = arith.constant 0 : index
    %get3A_69 = vector.load %arg12[%get3A_67, %get3A_68] : memref<256x13xf32, #tpu.memory_space<vmem>>, vector<256x13xf32>
    %dot_general3A_70 = arith.constant dense<0.000000e+00> : vector<256x4096xf32>
    %dot_general3A_71 = tpu.matmul %get3A_69, %get3A_1, %dot_general3A_70 {dimension_numbers = #tpu.dot_dimension_numbers<[1], [0], [0], [1], [0, 0, 1, 1], [], []>, transpose_lhs_hint = false} : vector<256x13xf32>, vector<13x4096xf32>, vector<256x4096xf32> -> vector<256x4096xf32>
    %add3A_72 = arith.addf %dot_general3A_66, %dot_general3A_71 : vector<256x4096xf32>
    %get3A_73 = arith.constant 0 : index
    %get3A_74 = arith.constant 0 : index
    %get3A_75 = vector.load %arg14[%get3A_73, %get3A_74] : memref<256x1xf32, #tpu.memory_space<vmem>>, vector<256x1xf32>
    %add3A_76 = vector.broadcast %get3A_75 : vector<256x1xf32> to vector<256x4096xf32>
    %add3A_77 = arith.addf %add3A_72, %add3A_76 : vector<256x4096xf32>
    %max3A_78 = arith.constant 0.000000e+00 : f32
    %max3A_79 = vector.broadcast %max3A_78 : f32 to vector<256x4096xf32>
    %max3A_80 = arith.maximumf %add3A_77, %max3A_79 : vector<256x4096xf32>
    %get3A_81 = arith.constant 0 : index
    %get3A_82 = arith.constant 0 : index
    %get3A_83 = vector.load %arg15[%get3A_81, %get3A_82] : memref<128x256xf32, #tpu.memory_space<vmem>>, vector<128x256xf32>
    %dot_general3A_84 = arith.constant dense<0.000000e+00> : vector<128x4096xf32>
    %dot_general3A_85 = tpu.matmul %get3A_83, %max3A_80, %dot_general3A_84 {dimension_numbers = #tpu.dot_dimension_numbers<[1], [0], [0], [1], [0, 0, 1, 1], [], []>, transpose_lhs_hint = false} : vector<128x256xf32>, vector<256x4096xf32>, vector<128x4096xf32> -> vector<128x4096xf32>
    %get3A_86 = arith.constant 0 : index
    %get3A_87 = arith.constant 0 : index
    %get3A_88 = vector.load %arg16[%get3A_86, %get3A_87] : memref<128x1xf32, #tpu.memory_space<vmem>>, vector<128x1xf32>
    %add3A_89 = vector.broadcast %get3A_88 : vector<128x1xf32> to vector<128x4096xf32>
    %add3A_90 = arith.addf %dot_general3A_85, %add3A_89 : vector<128x4096xf32>
    %max3A_91 = arith.constant 0.000000e+00 : f32
    %max3A_92 = vector.broadcast %max3A_91 : f32 to vector<128x4096xf32>
    %max3A_93 = arith.maximumf %add3A_90, %max3A_92 : vector<128x4096xf32>
    %get3A_94 = arith.constant 0 : index
    %get3A_95 = arith.constant 0 : index
    %get3A_96 = vector.load %arg17[%get3A_94, %get3A_95] : memref<64x128xf32, #tpu.memory_space<vmem>>, vector<64x128xf32>
    %dot_general3A_97 = arith.constant dense<0.000000e+00> : vector<64x4096xf32>
    %dot_general3A_98 = tpu.matmul %get3A_96, %max3A_93, %dot_general3A_97 {dimension_numbers = #tpu.dot_dimension_numbers<[1], [0], [0], [1], [0, 0, 1, 1], [], []>, transpose_lhs_hint = false} : vector<64x128xf32>, vector<128x4096xf32>, vector<64x4096xf32> -> vector<64x4096xf32>
    %get3A_99 = arith.constant 0 : index
    %get3A_100 = arith.constant 0 : index
    %get3A_101 = vector.load %arg18[%get3A_99, %get3A_100] : memref<64x1xf32, #tpu.memory_space<vmem>>, vector<64x1xf32>
    %add3A_102 = vector.broadcast %get3A_101 : vector<64x1xf32> to vector<64x4096xf32>
    %add3A_103 = arith.addf %dot_general3A_98, %add3A_102 : vector<64x4096xf32>
    %max3A_104 = arith.constant 0.000000e+00 : f32
    %max3A_105 = vector.broadcast %max3A_104 : f32 to vector<64x4096xf32>
    %max3A_106 = arith.maximumf %add3A_103, %max3A_105 : vector<64x4096xf32>
    %get3A_107 = arith.constant 0 : index
    %get3A_108 = arith.constant 0 : index
    %get3A_109 = vector.load %arg19[%get3A_107, %get3A_108] : memref<1x64xf32, #tpu.memory_space<vmem>>, vector<1x64xf32>
    %dot_general3A_110 = arith.constant dense<0.000000e+00> : vector<1x4096xf32>
    %dot_general3A_111 = tpu.matmul %get3A_109, %max3A_106, %dot_general3A_110 {dimension_numbers = #tpu.dot_dimension_numbers<[1], [0], [0], [1], [0, 0, 1, 1], [], []>, transpose_lhs_hint = false} : vector<1x64xf32>, vector<64x4096xf32>, vector<1x4096xf32> -> vector<1x4096xf32>
    %get3A_112 = arith.constant 0 : index
    %get3A_113 = arith.constant 0 : index
    %get3A_114 = vector.load %arg20[%get3A_112, %get3A_113] : memref<1x1xf32, #tpu.memory_space<vmem>>, vector<1x1xf32>
    %add3A_115 = vector.broadcast %get3A_114 : vector<1x1xf32> to vector<1x4096xf32>
    %add3A_116 = arith.addf %dot_general3A_111, %add3A_115 : vector<1x4096xf32>
    %logistic3A_117 = arith.negf %add3A_116 : vector<1x4096xf32>
    %logistic3A_118 = math.exp %logistic3A_117 : vector<1x4096xf32>
    %logistic3A_119 = arith.constant 1.000000e+00 : f32
    %logistic3A_120 = vector.broadcast %logistic3A_119 : f32 to vector<1x4096xf32>
    %logistic3A_121 = arith.addf %logistic3A_120, %logistic3A_118 : vector<1x4096xf32>
    %logistic3A_122 = arith.divf %logistic3A_120, %logistic3A_121 : vector<1x4096xf32>
    %swap3A = arith.constant 0 : index
    %swap3A_123 = arith.constant 0 : index
    %swap3A_124 = vector.load %arg21[%swap3A, %swap3A_123] : memref<1x4096xf32, #tpu.memory_space<vmem>>, vector<1x4096xf32>
    tpu.vector_store %arg21[%swap3A, %swap3A_123], %logistic3A_61 {strides = array<i32>} : memref<1x4096xf32, #tpu.memory_space<vmem>>, vector<1x4096xf32>,
    %mul3A = arith.mulf %logistic3A_61, %logistic3A_122 : vector<1x4096xf32>
    %swap3A_125 = arith.constant 0 : index
    %swap3A_126 = arith.constant 0 : index
    %swap3A_127 = vector.load %arg22[%swap3A_125, %swap3A_126] : memref<1x4096xf32, #tpu.memory_space<vmem>>, vector<1x4096xf32>
    tpu.vector_store %arg22[%swap3A_125, %swap3A_126], %mul3A {strides = array<i32>} : memref<1x4096xf32, #tpu.memory_space<vmem>>, vector<1x4096xf32>,
    return
  }
  func.func @transform_0(%arg0: i32) -> (i32, i32) {
    %c0_i32 = arith.constant 0 : i32
    %c0_i32_0 = arith.constant 0 : i32
    return %c0_i32, %arg0 : i32, i32
  }
  func.func @transform_1(%arg0: i32) -> (i32, i32) {
    %c0_i32 = arith.constant 0 : i32
    %c0_i32_0 = arith.constant 0 : i32
    return %c0_i32, %arg0 : i32, i32
  }
  func.func @transform_2(%arg0: i32) -> (i32, i32) {
    %c0_i32 = arith.constant 0 : i32
    %c0_i32_0 = arith.constant 0 : i32
    %c0_i32_1 = arith.constant 0 : i32
    return %c0_i32, %c0_i32_0 : i32, i32
  }
  func.func @transform_3(%arg0: i32) -> (i32, i32) {
    %c0_i32 = arith.constant 0 : i32
    %c0_i32_0 = arith.constant 0 : i32
    %c0_i32_1 = arith.constant 0 : i32
    return %c0_i32, %c0_i32_0 : i32, i32
  }
  func.func @transform_4(%arg0: i32) -> (i32, i32) {
    %c0_i32 = arith.constant 0 : i32
    %c0_i32_0 = arith.constant 0 : i32
    %c0_i32_1 = arith.constant 0 : i32
    return %c0_i32, %c0_i32_0 : i32, i32
  }
  func.func @transform_5(%arg0: i32) -> (i32, i32) {
    %c0_i32 = arith.constant 0 : i32
    %c0_i32_0 = arith.constant 0 : i32
    %c0_i32_1 = arith.constant 0 : i32
    return %c0_i32, %c0_i32_0 : i32, i32
  }
  func.func @transform_6(%arg0: i32) -> (i32, i32) {
    %c0_i32 = arith.constant 0 : i32
    %c0_i32_0 = arith.constant 0 : i32
    %c0_i32_1 = arith.constant 0 : i32
    return %c0_i32, %c0_i32_0 : i32, i32
  }
  func.func @transform_7(%arg0: i32) -> (i32, i32) {
    %c0_i32 = arith.constant 0 : i32
    %c0_i32_0 = arith.constant 0 : i32
    %c0_i32_1 = arith.constant 0 : i32
    return %c0_i32, %c0_i32_0 : i32, i32
  }
  func.func @transform_8(%arg0: i32) -> (i32, i32) {
    %c0_i32 = arith.constant 0 : i32
    %c0_i32_0 = arith.constant 0 : i32
    %c0_i32_1 = arith.constant 0 : i32
    return %c0_i32, %c0_i32_0 : i32, i32
  }
  func.func @transform_9(%arg0: i32) -> (i32, i32) {
    %c0_i32 = arith.constant 0 : i32
    %c0_i32_0 = arith.constant 0 : i32
    %c0_i32_1 = arith.constant 0 : i32
    return %c0_i32, %c0_i32_0 : i32, i32
  }
  func.func @transform_10(%arg0: i32) -> (i32, i32) {
    %c0_i32 = arith.constant 0 : i32
    %c0_i32_0 = arith.constant 0 : i32
    %c0_i32_1 = arith.constant 0 : i32
    return %c0_i32, %c0_i32_0 : i32, i32
  }
  func.func @transform_11(%arg0: i32) -> (i32, i32) {
    %c0_i32 = arith.constant 0 : i32
    %c0_i32_0 = arith.constant 0 : i32
    %c0_i32_1 = arith.constant 0 : i32
    return %c0_i32, %c0_i32_0 : i32, i32
  }
  func.func @transform_12(%arg0: i32) -> (i32, i32) {
    %c0_i32 = arith.constant 0 : i32
    %c0_i32_0 = arith.constant 0 : i32
    %c0_i32_1 = arith.constant 0 : i32
    return %c0_i32, %c0_i32_0 : i32, i32
  }
  func.func @transform_13(%arg0: i32) -> (i32, i32) {
    %c0_i32 = arith.constant 0 : i32
    %c0_i32_0 = arith.constant 0 : i32
    %c0_i32_1 = arith.constant 0 : i32
    return %c0_i32, %c0_i32_0 : i32, i32
  }
  func.func @transform_14(%arg0: i32) -> (i32, i32) {
    %c0_i32 = arith.constant 0 : i32
    %c0_i32_0 = arith.constant 0 : i32
    %c0_i32_1 = arith.constant 0 : i32
    return %c0_i32, %c0_i32_0 : i32, i32
  }
  func.func @transform_15(%arg0: i32) -> (i32, i32) {
    %c0_i32 = arith.constant 0 : i32
    %c0_i32_0 = arith.constant 0 : i32
    %c0_i32_1 = arith.constant 0 : i32
    return %c0_i32, %c0_i32_0 : i32, i32
  }
  func.func @transform_16(%arg0: i32) -> (i32, i32) {
    %c0_i32 = arith.constant 0 : i32
    %c0_i32_0 = arith.constant 0 : i32
    %c0_i32_1 = arith.constant 0 : i32
    return %c0_i32, %c0_i32_0 : i32, i32
  }
  func.func @transform_17(%arg0: i32) -> (i32, i32) {
    %c0_i32 = arith.constant 0 : i32
    %c0_i32_0 = arith.constant 0 : i32
    %c0_i32_1 = arith.constant 0 : i32
    return %c0_i32, %c0_i32_0 : i32, i32
  }
  func.func @transform_18(%arg0: i32) -> (i32, i32) {
    %c0_i32 = arith.constant 0 : i32
    %c0_i32_0 = arith.constant 0 : i32
    %c0_i32_1 = arith.constant 0 : i32
    return %c0_i32, %c0_i32_0 : i32, i32
  }
  func.func @transform_19(%arg0: i32) -> (i32, i32) {
    %c0_i32 = arith.constant 0 : i32
    %c0_i32_0 = arith.constant 0 : i32
    %c0_i32_1 = arith.constant 0 : i32
    return %c0_i32, %c0_i32_0 : i32, i32
  }
  func.func @transform_20(%arg0: i32) -> (i32, i32) {
    %c0_i32 = arith.constant 0 : i32
    %c0_i32_0 = arith.constant 0 : i32
    return %c0_i32, %arg0 : i32, i32
  }
  func.func @transform_21(%arg0: i32) -> (i32, i32) {
    %c0_i32 = arith.constant 0 : i32
    %c0_i32_0 = arith.constant 0 : i32
    return %c0_i32, %arg0 : i32, i32
  }
}

</mosaic_0001>

<sc_bundles>
// kernel: kernel.4.cloned.1.call-start
scs
__scs_entry_jumppad:
0x0: {  	(pc) =	sbr.rel $0x88, $3  }
0x1: {  	(tag) =	ssettag $0x0;
	lr =	simm.s32 $0x1  }
0x2: {  	[smem:$0x3F8E] =	sst lr;
	_ =	strace $0xD0000000  }
0x3: {  	_ = 	snop  }
0x4: {  	_ = 	snop  }
0x5: {  	_ = 	snop  }
0x6: {  	_ = 	snop  }
0x7: {  	_ = 	snop  }
__scs_overlays_trampoline_lowered:
0x8: {  	[smem:$0x3F9D] =	sst s0  }
0x9: {  	[smem:$0x3F9E] =	sst s1  }
0xa: {  	[smem:$0x3F9F] =	sst s2  }
0xb: {  	[smem:$0x3FA0] =	sst s3  }
0xc: {  	[smem:$0x3FA1] =	sst s4  }
0xd: {  	[smem:$0x3FA2] =	sst s5  }
0xe: {  	[smem:$0x3FA3] =	sst s6  }
0xf: {  	[smem:$0x3FA4] =	sst s7  }
0x10: {  	[smem:$0x3FA5] =	sst s8  }
0x11: {  	[smem:$0x3FA6] =	sst s9;
	s0 =	simm.s32 @!p0 $0x0  }
0x12: {  	s1 =	sld [smem:$0x3F8C];
	s0 =	simm.s32 @p0 $0x1  }
0x13: {  	[smem:$0x3FA7] =	sst s0;
	s0 =	simm.s32 @!p1 $0x0  }
0x14: {  	s2 =	sld [smem:$0x3F8B];
	s0 =	simm.s32 @p1 $0x1  }
0x15: {  	[smem:$0x3FA8] =	sst s0;
	s0 =	simm.s32 @!p2 $0x0  }
0x16: {  	s3 =	sld [smem:$0x3FDB];
	s0 =	simm.s32 @p2 $0x1  }
0x17: {  	s4 =	simm.s32 $0x1BF5;
	[smem:$0x3FAA] =	sst s0  }
0x18: {  	s0 =	sld [smem:$0x3F8D];
	_ =	swait.ge [sflag:s4], $0x0  }
0x19: {  	s7 =	sld [smem:$0x3F8E]  }
0x1a: {  	s8 =	sadd.s32 $0xFFFFE003, lr  }
0x1b: {  	s9 =	sadd.s32 $0xFFFFFEF7, lr;
	s5 =	simm.s32 $0xFFFFFFFF;
	p2 =	slt.u32 s8, $0xFFFFF086  }
0x1c: {  	p1 =	slt.u32 s9, $0xF7A;
	s5 =	simm.s32 @!p2 $0x0  }
0x1d: {  	s5 =	simm.s32 @p1 $0x1;
	p0 =	seq.s32 s7, s2  }
0x1e: {  	s7 =	smul.u32 @!p0 $0xF7A, s2;
	p2 =	seq.s32 @!p0 s5, $0x0  }
0x1f: {  	s9 =	smul.u32 $0xF7A, s1;
	s8 =	simm.s32 @!p0 $0x1BF5;
	p2 =	por !p2, p0  }
0x20: {  	[sflag:s8] =	ssyncset.s32 @!p0 $0xFFFFF086;
	s6 =	sadd.s32 @!p0 s3, s7;
	s7 =	simm.s32 @!p0 $0x108  }
0x21: {  	s3 =	sadd.s32 s3, s9;
	s6 =	sadd.s32 @!p0 $0x88, s6;
	s7 =	simm.s32 @p2 $0x1082  }
0x22: {  	[simem:s7], [sflag:s8] =	dma.local @!p0 [hbm:s6], $0xF7A  }
0x23: {  	s9 =	sor.u32 $0xD0000000, s2;
	s6 =	simm.s32 $0x108;
	_ =	swait.ge @!p0 [sflag:s8], $0x0  }
0x24: {  	s3 =	sadd.s32 $0x88, s3;
	s6 =	simm.s32 @!p1 $0x1082;
	[sflag:s4] =	ssyncset.s32 $0xFFFFF086  }
0x25: {  	[simem:s6], [sflag:s4] =	dma.local [hbm:s3], $0xF7A  }
0x26: {  	[smem:$0x3F8E] =	sst s1;
	(tag) =	ssettag s2;
	_ =	strace s9  }
0x27: {  	s1 =	sld [smem:$0x3F9E]  }
0x28: {  	s2 =	sld [smem:$0x3F9F]  }
0x29: {  	s4 =	sld [smem:$0x3FA1]  }
0x2a: {  	p0 =	seq.s32 s5, $0x0;
	s5 =	sld [smem:$0x3FA2]  }
0x2b: {  	s6 =	sld [smem:$0x3FA3]  }
0x2c: {  	s7 =	sld [smem:$0x3FA4]  }
0x2d: {  	s3 =	simm.s32 $0x108;
	s8 =	sld [smem:$0x3FA5]  }
0x2e: {  	s3 =	simm.s32 @!p0 $0x1082;
	s9 =	sld [smem:$0x3FA6]  }
0x2f: {  	lr =	sadd.s32 s0, s3;
	s0 =	sld [smem:$0x3F9D]  }
0x30: {  	s3 =	sld [smem:$0x3FA0]  }
0x31: {  	[smem:$0x3FA9] =	sst s10  }
0x32: {  	s10 =	sld [smem:$0x3FA7];
	_ =	sdelay $0x3  }
0x33: {  	p0 =	seq.s32 s10, $0x1;
	s10 =	sld [smem:$0x3FA9];
	_ =	sdelay $0x3  }
0x34: {  	[smem:$0x3FA9] =	sst s10  }
0x35: {  	s10 =	sld [smem:$0x3FA8];
	_ =	sdelay $0x3  }
0x36: {  	p1 =	seq.s32 s10, $0x1;
	s10 =	sld [smem:$0x3FA9];
	_ =	sdelay $0x3  }
0x37: {  	[smem:$0x3FA9] =	sst s10  }
0x38: {  	s10 =	sld [smem:$0x3FAA]  }
0x39: {  	_ = 	snop;
	(pc) =	sbr.ind lr, $3  }
0x3a: {  	_ = 	snop  }
0x3b: {  	_ = 	snop  }
0x3c: {  	p2 =	seq.s32 s10, $0x1;
	s10 =	sld [smem:$0x3FA9]  }
0x3d: {  	_ =	shalt  }
0x3e: {  	_ =	shalt  }
0x3f: {  	_ =	shalt  }
0x40: {  	_ =	shalt  }
0x41: {  	_ =	shalt  }
0x42: {  	_ =	shalt  }
0x43: {  	_ =	shalt  }
0x44: {  	_ =	shalt  }
0x45: {  	_ =	shalt  }
0x46: {  	_ =	shalt  }
0x47: {  	_ =	shalt  }
0x48: {  	_ =	shalt  }
0x49: {  	_ =	shalt  }
0x4a: {  	_ =	shalt  }
0x4b: {  	_ =	shalt  }
0x4c: {  	_ =	shalt  }
0x4d: {  	_ =	shalt  }
0x4e: {  	_ =	shalt  }
0x4f: {  	_ =	shalt  }
0x50: {  	_ =	shalt  }
0x51: {  	_ =	shalt  }
0x52: {  	_ =	shalt  }
0x53: {  	_ =	shalt  }
0x54: {  	_ =	shalt  }
0x55: {  	_ =	shalt  }
0x56: {  	_ =	shalt  }
0x57: {  	_ =	shalt  }
0x58: {  	_ =	shalt  }
0x59: {  	_ =	shalt  }
0x5a: {  	_ =	shalt  }
0x5b: {  	_ =	shalt  }
0x5c: {  	_ =	shalt  }
0x5d: {  	_ =	shalt  }
0x5e: {  	_ =	shalt  }
0x5f: {  	_ =	shalt  }
0x60: {  	_ =	shalt  }
0x61: {  	_ =	shalt  }
0x62: {  	_ =	shalt  }
0x63: {  	_ =	shalt  }
0x64: {  	_ =	shalt  }
0x65: {  	_ =	shalt  }
0x66: {  	_ =	shalt  }
0x67: {  	_ =	shalt  }
0x68: {  	_ =	shalt  }
0x69: {  	_ =	shalt  }
0x6a: {  	_ =	shalt  }
0x6b: {  	_ =	shalt  }
0x6c: {  	_ =	shalt  }
0x6d: {  	_ =	shalt  }
0x6e: {  	_ =	shalt  }
0x6f: {  	_ =	shalt  }
0x70: {  	_ =	shalt  }
0x71: {  	_ =	shalt  }
0x72: {  	_ =	shalt  }
0x73: {  	_ =	shalt  }
0x74: {  	_ =	shalt  }
0x75: {  	_ =	shalt  }
0x76: {  	_ =	shalt  }
0x77: {  	_ =	shalt  }
0x78: {  	_ =	shalt  }
0x79: {  	_ =	shalt  }
0x7a: {  	_ =	shalt  }
0x7b: {  	_ =	shalt  }
0x7c: {  	_ =	shalt  }
0x7d: {  	_ =	shalt  }
0x7e: {  	_ =	shalt  }
0x7f: {  	_ =	shalt  }
0x80: {  	_ =	shalt  }
0x81: {  	_ =	shalt  }
0x82: {  	_ =	shalt  }
0x83: {  	_ =	shalt  }
0x84: {  	_ =	shalt  }
0x85: {  	_ =	shalt  }
0x86: {  	_ =	shalt  }
0x87: {  	_ =	shalt  }
.Lfunc_end0:
.L_simem_size_0:
called_computation_lowered:
.L_overlay_start_0:
0x88: {  	s2 =	sld [smem:$0x3FD9]  }
0x89: {  	s3 =	sld [smem:$0x3FFE];
	_ =	sdelay $0x1  }
0x8a: {  	s1 =	srdreg.scid  }
0x8b: {  	s0 =	sand.u32 $0x1, s1  }
0x8c: {  	s17 =	sshll.u32 s0, $0xA;
	s2 =	sadd.s32 s3, s2  }
0x8d: {  	s2 =	sadd.s32 s2, s17  }
0x8e: {  	[smem:$0x3FB5] =	sst s2  }
0x8f: {  	_ = 	snop  }
0x90: {  	s2 =	sld [smem:$0x3FC8]  }
0x91: {  	s18 =	sld [smem:$0x3FC7];
	(tm) =	ssettm $0x1  }
0x92: {  	s4 =	sld [smem:$0x3FFB];
	_ =	sdelay $0x3  }
0x93: {  	_ =	strace s4  }
0x94: {  	s4 =	sld [smem:$0x3FFC];
	_ =	sdelay $0x3  }
0x95: {  	_ =	strace s4  }
0x96: {  	s4 =	sld [smem:$0x3FFD];
	_ =	sdelay $0x3  }
0x97: {  	_ =	strace s4  }
0x98: {  	_ =	strace $0x8FFFFFFF  }
0x99: {  	s19 =	sld [smem:$0x3FDB];
	_ =	sdelay $0x1  }
0x9a: {  	s5 =	simm.s32 $_scs_section_size  }
0x9b: {  	s6 =	simm.s32 $_size__tile_overlayer_lowered;
	s7 =	simm.s32 $_tile_overlayer_lowered  }
0x9c: {  	s22 =	simm.s32 $0x1BFF;
	s21 =	sshll.u32 s7, $0x1;
	s4 =	sadd.s32 s5, s19  }
0x9d: {  	s8 =	simm.s32 $0x0;
	s20 =	sshll.u32 s6, $0x1;
	s6 =	sadd.s32 s21, s4  }
0x9e: {  	[timem:s8], [sflag:s22] =	dma.local [hbm:s6], s20  }
0x9f: {  	_ =	swait.ge [sflag:s22], s20  }
0xa0: {  	s5 =	ssub.s32 $0x0, s20;
	[sflag:s22] =	ssyncset.done $0x0  }
0xa1: {  	[sflag:s22] =	ssyncadd.s32 s5;
	_ =	sdelay $0x1  }
0xa2: {  	s23 =	simm.s32 $0x1B8B  }
0xa3: {  	_ =	swait.ge [sflag:s23], $0x1  }
0xa4: {  	[sflag:s23] =	ssyncset.done $0x0  }
0xa5: {  	s25 =	simm.s32 $0x1B8E;
	s24 =	sld [smem:$0x3FFE];
	[sflag:s23] =	ssyncadd.s32 $0xFFFFFFFF  }
0xa6: {  	s26 =	simm.s32 $execute0_lowered;
	[smem:$0x3FD2] =	sst s25  }
0xa7: {  	s6 =	sshll.u32 s26, $0x1;
	_ =	strace $0x80000046;
	[dreg:$0x1] =	wrdreg $0xFFFFFFFF  }
0xa8: {  	s28 =	simm.s32 $_size_execute0_lowered;
	s4 =	sadd.s32 s4, s6;
	[dreg:$0x0] =	wrdreg $0x0  }
0xa9: {  	s6 =	sshll.u32 s28, $0x1;
	[dreg:$0x2] =	wrdreg s4  }
0xaa: {  	[dreg:$0x3] =	wrdreg s6  }
0xab: {  	[dreg:$0x4] =	wrdreg $0xC0  }
0xac: {  	_ =	task [dreg:s8], $0x5FFFF  }
0xad: {  	[dreg:$0x1] =	wrdreg $0xFFFFFFFF  }
0xae: {  	[dreg:$0x0] =	wrdreg $0x60  }
0xaf: {  	[dreg:$0x2] =	wrdreg s18  }
0xb0: {  	[dreg:$0x3] =	wrdreg s2  }
0xb1: {  	[dreg:$0x4] =	wrdreg s24  }
0xb2: {  	[dreg:$0x5] =	wrdreg $0x9  }
0xb3: {  	_ =	task.clear_ibuf [dreg:s8], $0x6FFFF;
	_ =	strace $0x90000046  }
0xb4: {  	s29 =	simm.s32 $0x9;
	_ =	strace $0x80000048  }
0xb5: {  	_ =	swait.ge [sflag:s29], $0x1  }
0xb6: {  	[sflag:s29] =	ssyncadd.s32 $0xFFFFFFFF  }
0xb7: {  	_ =	strace $0x90000048  }
0xb8: {  	_ =	sfence  }
0xb9: {  	s30 =	sld [smem:$0x0];
	_ =	sdelay $0x2  }
0xba: {  	s31 =	sshll.u32 s1, $0xD;
	s1 =	sshrl.u32 s1, $0x2  }
0xbb: {  	s3 =	sand.u32 $0x4000, s31;
	s1 =	sadd.s32 s1, s30  }
0xbc: {  	s0 =	sor.u32 s3, s0;
	s1 =	sshll.u32 s1, $0x11  }
0xbd: {  	s0 =	sor.u32 s1, s0  }
0xbe: {  	s0 =	sadd.s32 $0x8F2B, s0  }
0xbf: {  	[sflag:s0] =	ssyncadd.remote.s32 $0x1  }
0xc0: {  	_ =	sfence.sel $0xFFFF  }
0xc1: {  	[dreg:$0x0] =	wrdreg $0xFFFFFFFF;
	(pc) =	sbr.abs _section_cstart, $3  }
0xc2: {  	[dreg:$0x1] =	wrdreg $0xFFFFFFFF  }
0xc3: {  	_ =	task.clear_ibuf [dreg:s8], $0x2FFFF;
	_ =	strace $0x9FFFFFFF  }
0xc4: {  	(tm) =	ssettm $0x7FFFFFFF  }
0xc5: {  	_ =	shalt  }
tec
execute0_lowered:
.L_overlay_start_1:
0x0: {  	(tag) =	ssettag $0x1  }
0x1: {  	s1 =	srdreg.scid;
	s4 =	rddreg [dreg:$0x1]  }
0x2: {  	s0 =	stileid.u32;
	s12 =	rddreg [dreg:$0x2]  }
0x3: {  	s14 =	simm.s32 $0x80;
	s15 =	simm.s32 $0x400;
	s16 =	simm.s32 $0x18700  }
0x4: {  	s17 =	simm.s32 $0x4;
	s18 =	simm.s32 $0x1;
	s19 =	simm.s32 $0x1C700  }
0x5: {  	s20 =	simm.s32 $0x1D700;
	s1 =	sand.u32 $0x1, s1;
	s2 =	sshll.u32 s0, $0x1  }
0x6: {  	s21 =	simm.s32 $0x2;
	s22 =	simm.s32 $0x3;
	s5 =	sor.u32 s1, s2  }
0x7: {  	s23 =	simm.s32 $0x0;
	s2 =	rddreg [dreg:$0x0];
	s3 =	smul.u32 $0xD, s5  }
0x8: {  	s1 =	ssub.s32 $0x2, s1;
	s7 =	smul.u32 $0x280, s5;
	s5 =	simm.s32 $0x0  }
0x9: {  	s11 =	sadd.s32 $0x4C00, s12;
	s8 =	sshrl.u32 s1, $0x1;
	[smem:$0x7FF] =	sst s5  }
0xa: {  	s1 =	ssub.s32 s1, s8;
	s6 =	sshrl.u32 s3, $0x3;
	s7 =	sand.u32 $0x380, s7  }
0xb: {  	_ =	strace $0x80000047;
	s9 =	sshll.u32 s3, $0x7;
	s6 =	smul.u32 $0xC3800, s6  }
0xc: {  	s10 =	sand.u32 $0x70, s3;
	s8 =	sshrl.u32 s3, $0x4;
	s13 =	smax.u32 s1, $0x1  }
0xd: {  	s9 =	sand.u32 $0xC000, s9;
	s10 =	sadd.s32 s4, s10;
	s7 =	sor.u32 s7, s6  }
0xe: {  	s9 =	sadd.s32 s9, s10;
	s10 =	sadd.s32 $0x3C00, s12;
	s7 =	sshrl.u32 s7, $0x3  }
0xf: {  	s6 =	sadd.s32 $0x2C00, s12;
	s12 =	sadd.s32 $0x5C00, s12;
	s7 =	sadd.s32 s2, s7  }
.LBB2_1:
0x10: {  	[tilespmem:s5], [sflag:$0x1] =	stream.strided.gather [hbm4b:s7+s14], $0x18700, s15, s14, $0x38;
	[tilespmem:$0x1E700] =	vst v63  }
0x11: {  	_ = 	snop  }
0x12: {  	[tilespmem:s16], [sflag:$0x4] =	stream.strided.gather [hbm4b:s9+s14], $0x4000, s15, s14, $0x38;
	[tilespmem:$0x1E700] =	vst v63  }
0x13: {  	_ =	swait.ge [sflag:s17], $0x4000  }
0x14: {  	[sflag:s17] =	ssyncset.done $0x0  }
0x15: {  	s24 =	smov.u32 s8;
	s25 =	simm.s32 $0x0;
	[sflag:s17] =	ssyncadd.s32 $0xFFFFC000  }
.LBB2_2:
0x16: {  	s26 =	sadd.s32 s3, s25  }
0x17: {  	s1 =	smov.u32 s24;
	_ =	swait.ge [sflag:s18], $0x18700;
	s24 =	sshrl.u32 s26, $0x4  }
0x18: {  	[sflag:s18] =	ssyncset.done $0x0;
	p1 =	seq.s32 s24, s1  }
0x19: {  	[sflag:s18] =	ssyncadd.s32 $0xFFFE7900;
	s1 =	sshll.u32 @!p1 s24, $0xB;
	s28 =	sand.u32 @!p1 $0x70, s26  }
0x1a: {  	s29 =	simm.s32 @!p1 $0x400;
	s1 =	sand.u32 @!p1 $0xFFFC000, s1;
	s28 =	sadd.s32 @!p1 s4, s28  }
0x1b: {  	s30 =	simm.s32 @!p1 $0x18700;
	s1 =	sadd.s32 @!p1 s1, s28;
	s28 =	simm.s32 @!p1 $0x80  }
0x1c: {  	[tilespmem:s30], [sflag:$0x4] =	stream.strided.gather @!p1 [hbm4b:s1+s28], $0x4000, s29, s28, $0x38;
	[tilespmem:$0x1E700] =	vst v63  }
0x1d: {  	s1 =	simm.s32 @!p1 $0x4  }
0x1e: {  	_ =	swait.ge @!p1 [sflag:s1], $0x4000  }
0x1f: {  	p0 =	seq.s32 s25, $0x0;
	[sflag:s1] =	ssyncset.done @!p1 $0x0  }
0x20: {  	[sflag:s1] =	ssyncadd.s32 @!p1 $0xFFFFC000;
	s1 =	simm.s32 @!p0 $0x2  }
0x21: {  	_ =	swait.ge @!p0 [sflag:s1], $0x1000  }
0x22: {  	[sflag:s1] =	ssyncset.done @!p0 $0x0  }
0x23: {  	[sflag:s1] =	ssyncadd.s32 @!p0 $0xFFFFF000;
	s1 =	simm.s32 $0x18740  }
0x24: {  	v0 =	vld [tilespmem:s1+$0x30]  }
0x25: {  	v1 =	vld [tilespmem:s1+$0xFFFFFFD0]  }
0x26: {  	v2 =	vld [tilespmem:s1+$0xFFFFFFE0]  }
0x27: {  	v3 =	vld [tilespmem:s1+$0xFFFFFFF0]  }
0x28: {  	v4 =	vld [tilespmem:s1+$0x0]  }
0x29: {  	v6 =	vld [tilespmem:s1+$0x10]  }
0x2a: {  	v7 =	vld [tilespmem:s1+$0x20]  }
0x2b: {  	v8 =	vld [tilespmem:s1+$0xFFFFFFC0]  }
0x2c: {  	v9 =	vld.idx.msk [tilespmem:v0+s5+$0x0], $0xffff  }
0x2d: {  	v10 =	vld.idx.msk [tilespmem:v1+s5+$0x0], $0xffff  }
0x2e: {  	v5 =	vld.idx.msk [tilespmem:v2+s5+$0x0], $0xffff  }
0x2f: {  	v3 =	vld.idx.msk [tilespmem:v3+s5+$0x0], $0xffff  }
0x30: {  	v2 =	vld.idx.msk [tilespmem:v4+s5+$0x0], $0xffff  }
0x31: {  	s29 =	simm.s32 $0x1C740;
	v0 =	vld.idx.msk [tilespmem:v6+s5+$0x0], $0xffff  }
0x32: {  	s1 =	sshll.u32 s26, $0x4;
	v1 =	vld.idx.msk [tilespmem:v7+s5+$0x0], $0xffff;
	[tilespmem:s29+$0x30] =	vst v9  }
0x33: {  	s31 =	simm.s32 $0x187C0;
	s30 =	simm.s32 $0x0;
	s28 =	sand.u32 $0x70, s1;
	v4 =	vld.idx.msk [tilespmem:v8+s5+$0x0], $0xffff;
	[tilespmem:s29+$0xFFFFFFD0] =	vst v10  }
.LBB2_3:
0x34: {  	v6 =	vld [tilespmem:s31+$0x30];
	s30 =	sadd.s32 $0x80, s30;
	[tilespmem:s29+$0xFFFFFFE0] =	vst v5  }
0x35: {  	v5 =	vld [tilespmem:s31+$0xFFFFFFD0];
	p1 =	slt.u32 s30, $0xF80;
	[tilespmem:s29+$0xFFFFFFF0] =	vst v3  }
0x36: {  	v3 =	vld [tilespmem:s31+$0xFFFFFFE0];
	[tilespmem:s29+$0x0] =	vst v2  }
0x37: {  	v2 =	vld [tilespmem:s31+$0xFFFFFFF0];
	[tilespmem:s29+$0x10] =	vst v0  }
0x38: {  	v0 =	vld [tilespmem:s31+$0x0];
	[tilespmem:s29+$0x20] =	vst v1  }
0x39: {  	v1 =	vld [tilespmem:s31+$0x10];
	[tilespmem:s29+$0xFFFFFFC0] =	vst v4  }
0x3a: {  	v4 =	vld [tilespmem:s31+$0x20]  }
0x3b: {  	v7 =	vld [tilespmem:s31+$0xFFFFFFC0]  }
0x3c: {  	v6 =	vld.idx.msk [tilespmem:v6+s5+$0x0], $0xffff  }
0x3d: {  	v8 =	vld.idx.msk [tilespmem:v5+s5+$0x0], $0xffff  }
0x3e: {  	v5 =	vld.idx.msk [tilespmem:v3+s5+$0x0], $0xffff  }
.Ltmp0:
0x3f: {  	v3 =	vld.idx.msk [tilespmem:v2+s5+$0x0], $0xffff;
	(pc) =	sbr.rel @p1 .LBB2_3-.Ltmp0, $4  }
0x40: {  	v2 =	vld.idx.msk [tilespmem:v0+s5+$0x0], $0xffff  }
0x41: {  	s29 =	sadd.s32 $0x80, s29;
	v0 =	vld.idx.msk [tilespmem:v1+s5+$0x0], $0xffff  }
0x42: {  	v1 =	vld.idx.msk [tilespmem:v4+s5+$0x0], $0xffff;
	[tilespmem:s29+$0x30] =	vst v6  }
0x43: {  	s31 =	sadd.s32 $0x80, s31;
	v4 =	vld.idx.msk [tilespmem:v7+s5+$0x0], $0xffff;
	[tilespmem:s29+$0xFFFFFFD0] =	vst v8  }
0x44: {  	[tilespmem:s29+$0xFFFFFFE0] =	vst v5  }
0x45: {  	[tilespmem:s29+$0xFFFFFFF0] =	vst v3  }
0x46: {  	s1 =	sshll.u32 s26, $0xB;
	[tilespmem:s29+$0x0] =	vst v2  }
0x47: {  	s1 =	sand.u32 $0xFFFC000, s1;
	[tilespmem:s29+$0x10] =	vst v0  }
0x48: {  	s28 =	sor.u32 s28, s1;
	[tilespmem:s29+$0x20] =	vst v1  }
0x49: {  	s1 =	sadd.s32 s6, s28;
	[tilespmem:s29+$0xFFFFFFC0] =	vst v4  }
0x4a: {  	[hbm4b:s1+s14] =	stream.strided.scatter [tilespmem:s19], [sflag:$0x2], $0x1000, s15, s14, $0x38;
	[tilespmem:$0x1E700] =	vst v63  }
0x4b: {  	s1 =	simm.s32 @!p0 $0x3  }
0x4c: {  	_ =	swait.ge @!p0 [sflag:s1], $0x1000  }
0x4d: {  	[sflag:s1] =	ssyncset.done @!p0 $0x0  }
0x4e: {  	[sflag:s1] =	ssyncadd.s32 @!p0 $0xFFFFF000;
	s1 =	simm.s32 $0x19770  }
0x4f: {  	v0 =	vld [tilespmem:s1+$0x0]  }
0x50: {  	v1 =	vld [tilespmem:s1+$0xFFFFFFA0]  }
0x51: {  	v2 =	vld [tilespmem:s1+$0xFFFFFFB0]  }
0x52: {  	v3 =	vld [tilespmem:s1+$0xFFFFFFC0]  }
0x53: {  	v4 =	vld [tilespmem:s1+$0xFFFFFFD0]  }
0x54: {  	v6 =	vld [tilespmem:s1+$0xFFFFFFE0]  }
0x55: {  	v7 =	vld [tilespmem:s1+$0xFFFFFFF0]  }
0x56: {  	v8 =	vld [tilespmem:s1+$0xFFFFFF90]  }
0x57: {  	v9 =	vld.idx.msk [tilespmem:v0+s5+$0x0], $0xffff  }
0x58: {  	v10 =	vld.idx.msk [tilespmem:v1+s5+$0x0], $0xffff  }
0x59: {  	v5 =	vld.idx.msk [tilespmem:v2+s5+$0x0], $0xffff  }
0x5a: {  	v3 =	vld.idx.msk [tilespmem:v3+s5+$0x0], $0xffff  }
0x5b: {  	v0 =	vld.idx.msk [tilespmem:v4+s5+$0x0], $0xffff  }
0x5c: {  	s29 =	simm.s32 $0x1D740;
	v1 =	vld.idx.msk [tilespmem:v6+s5+$0x0], $0xffff  }
0x5d: {  	v2 =	vld.idx.msk [tilespmem:v7+s5+$0x0], $0xffff;
	[tilespmem:s29+$0x30] =	vst v9  }
0x5e: {  	s30 =	simm.s32 $0x0;
	s31 =	simm.s32 $0x197F0;
	v4 =	vld.idx.msk [tilespmem:v8+s5+$0x0], $0xffff;
	[tilespmem:s29+$0xFFFFFFD0] =	vst v10  }
.LBB2_5:
0x5f: {  	v6 =	vld [tilespmem:s31+$0x0];
	s30 =	sadd.s32 $0x80, s30;
	[tilespmem:s29+$0xFFFFFFE0] =	vst v5  }
0x60: {  	v5 =	vld [tilespmem:s31+$0xFFFFFFA0];
	p0 =	slt.u32 s30, $0xF80;
	[tilespmem:s29+$0xFFFFFFF0] =	vst v3  }
0x61: {  	v3 =	vld [tilespmem:s31+$0xFFFFFFB0];
	[tilespmem:s29+$0x0] =	vst v0  }
0x62: {  	v0 =	vld [tilespmem:s31+$0xFFFFFFC0];
	[tilespmem:s29+$0x10] =	vst v1  }
0x63: {  	v1 =	vld [tilespmem:s31+$0xFFFFFFD0];
	[tilespmem:s29+$0x20] =	vst v2  }
0x64: {  	v2 =	vld [tilespmem:s31+$0xFFFFFFE0];
	[tilespmem:s29+$0xFFFFFFC0] =	vst v4  }
0x65: {  	v4 =	vld [tilespmem:s31+$0xFFFFFFF0]  }
0x66: {  	v7 =	vld [tilespmem:s31+$0xFFFFFF90]  }
0x67: {  	v6 =	vld.idx.msk [tilespmem:v6+s5+$0x0], $0xffff  }
0x68: {  	v8 =	vld.idx.msk [tilespmem:v5+s5+$0x0], $0xffff  }
0x69: {  	v5 =	vld.idx.msk [tilespmem:v3+s5+$0x0], $0xffff  }
.Ltmp1:
0x6a: {  	v3 =	vld.idx.msk [tilespmem:v0+s5+$0x0], $0xffff;
	(pc) =	sbr.rel @p0 .LBB2_5-.Ltmp1, $4  }
0x6b: {  	v0 =	vld.idx.msk [tilespmem:v1+s5+$0x0], $0xffff  }
0x6c: {  	s29 =	sadd.s32 $0x80, s29;
	v1 =	vld.idx.msk [tilespmem:v2+s5+$0x0], $0xffff  }
0x6d: {  	v2 =	vld.idx.msk [tilespmem:v4+s5+$0x0], $0xffff;
	[tilespmem:s29+$0x30] =	vst v6  }
0x6e: {  	s31 =	sadd.s32 $0x80, s31;
	v4 =	vld.idx.msk [tilespmem:v7+s5+$0x0], $0xffff;
	[tilespmem:s29+$0xFFFFFFD0] =	vst v8  }
0x6f: {  	[tilespmem:s29+$0xFFFFFFE0] =	vst v5  }
0x70: {  	[tilespmem:s29+$0xFFFFFFF0] =	vst v3  }
0x71: {  	[tilespmem:s29+$0x0] =	vst v0  }
0x72: {  	[tilespmem:s29+$0x10] =	vst v1  }
0x73: {  	[tilespmem:s29+$0x20] =	vst v2  }
0x74: {  	s1 =	sadd.s32 s28, s10;
	[tilespmem:s29+$0xFFFFFFC0] =	vst v4  }
0x75: {  	[hbm4b:s1+s14] =	stream.strided.scatter [tilespmem:s20], [sflag:$0x3], $0x1000, s15, s14, $0x38;
	[tilespmem:$0x1E700] =	vst v63  }
0x76: {  	_ =	swait.ge [sflag:s21], $0x1000  }
0x77: {  	[sflag:s21] =	ssyncset.done $0x0  }
0x78: {  	s1 =	simm.s32 $0x1A770;
	[sflag:s21] =	ssyncadd.s32 $0xFFFFF000  }
0x79: {  	v0 =	vld [tilespmem:s1+$0x0]  }
0x7a: {  	v1 =	vld [tilespmem:s1+$0xFFFFFFA0]  }
0x7b: {  	v2 =	vld [tilespmem:s1+$0xFFFFFFB0]  }
0x7c: {  	v3 =	vld [tilespmem:s1+$0xFFFFFFC0]  }
0x7d: {  	v5 =	vld [tilespmem:s1+$0xFFFFFFD0]  }
0x7e: {  	v6 =	vld [tilespmem:s1+$0xFFFFFFE0]  }
0x7f: {  	v7 =	vld [tilespmem:s1+$0xFFFFFFF0]  }
0x80: {  	v8 =	vld [tilespmem:s1+$0xFFFFFF90]  }
0x81: {  	v9 =	vld.idx.msk [tilespmem:v0+s5+$0x0], $0xffff  }
0x82: {  	v10 =	vld.idx.msk [tilespmem:v1+s5+$0x0], $0xffff  }
0x83: {  	v4 =	vld.idx.msk [tilespmem:v2+s5+$0x0], $0xffff  }
0x84: {  	v3 =	vld.idx.msk [tilespmem:v3+s5+$0x0], $0xffff  }
0x85: {  	v0 =	vld.idx.msk [tilespmem:v5+s5+$0x0], $0xffff  }
0x86: {  	s29 =	simm.s32 $0x1C740;
	v1 =	vld.idx.msk [tilespmem:v6+s5+$0x0], $0xffff  }
0x87: {  	v2 =	vld.idx.msk [tilespmem:v7+s5+$0x0], $0xffff;
	[tilespmem:s29+$0x30] =	vst v9  }
0x88: {  	s30 =	sadd.s32 s28, s11;
	s31 =	simm.s32 $0x0;
	s1 =	simm.s32 $0x1A7F0;
	v5 =	vld.idx.msk [tilespmem:v8+s5+$0x0], $0xffff;
	[tilespmem:s29+$0xFFFFFFD0] =	vst v10  }
.LBB2_7:
0x89: {  	v6 =	vld [tilespmem:s1+$0x0];
	s31 =	sadd.s32 $0x80, s31;
	[tilespmem:s29+$0xFFFFFFE0] =	vst v4  }
0x8a: {  	v4 =	vld [tilespmem:s1+$0xFFFFFFA0];
	p0 =	slt.u32 s31, $0xF80;
	[tilespmem:s29+$0xFFFFFFF0] =	vst v3  }
0x8b: {  	v3 =	vld [tilespmem:s1+$0xFFFFFFB0];
	[tilespmem:s29+$0x0] =	vst v0  }
0x8c: {  	v0 =	vld [tilespmem:s1+$0xFFFFFFC0];
	[tilespmem:s29+$0x10] =	vst v1  }
0x8d: {  	v1 =	vld [tilespmem:s1+$0xFFFFFFD0];
	[tilespmem:s29+$0x20] =	vst v2  }
0x8e: {  	v2 =	vld [tilespmem:s1+$0xFFFFFFE0];
	[tilespmem:s29+$0xFFFFFFC0] =	vst v5  }
0x8f: {  	v5 =	vld [tilespmem:s1+$0xFFFFFFF0]  }
0x90: {  	v7 =	vld [tilespmem:s1+$0xFFFFFF90]  }
0x91: {  	v6 =	vld.idx.msk [tilespmem:v6+s5+$0x0], $0xffff  }
0x92: {  	v8 =	vld.idx.msk [tilespmem:v4+s5+$0x0], $0xffff  }
0x93: {  	v4 =	vld.idx.msk [tilespmem:v3+s5+$0x0], $0xffff  }
.Ltmp2:
0x94: {  	v3 =	vld.idx.msk [tilespmem:v0+s5+$0x0], $0xffff;
	(pc) =	sbr.rel @p0 .LBB2_7-.Ltmp2, $4  }
0x95: {  	v0 =	vld.idx.msk [tilespmem:v1+s5+$0x0], $0xffff  }
0x96: {  	s29 =	sadd.s32 $0x80, s29;
	v1 =	vld.idx.msk [tilespmem:v2+s5+$0x0], $0xffff  }
0x97: {  	v2 =	vld.idx.msk [tilespmem:v5+s5+$0x0], $0xffff;
	[tilespmem:s29+$0x30] =	vst v6  }
0x98: {  	s1 =	sadd.s32 $0x80, s1;
	v5 =	vld.idx.msk [tilespmem:v7+s5+$0x0], $0xffff;
	[tilespmem:s29+$0xFFFFFFD0] =	vst v8  }
0x99: {  	[tilespmem:s29+$0xFFFFFFE0] =	vst v4  }
0x9a: {  	[tilespmem:s29+$0xFFFFFFF0] =	vst v3  }
0x9b: {  	[tilespmem:s29+$0x0] =	vst v0  }
0x9c: {  	[tilespmem:s29+$0x10] =	vst v1  }
0x9d: {  	[tilespmem:s29+$0x20] =	vst v2  }
0x9e: {  	[tilespmem:s29+$0xFFFFFFC0] =	vst v5  }
0x9f: {  	[hbm4b:s30+s14] =	stream.strided.scatter [tilespmem:s19], [sflag:$0x2], $0x1000, s15, s14, $0x38;
	[tilespmem:$0x1E700] =	vst v63  }
0xa0: {  	_ =	swait.ge [sflag:s22], $0x1000  }
0xa1: {  	[sflag:s22] =	ssyncset.done $0x0  }
0xa2: {  	s1 =	simm.s32 $0x1B770;
	[sflag:s22] =	ssyncadd.s32 $0xFFFFF000  }
0xa3: {  	v0 =	vld [tilespmem:s1+$0x0]  }
0xa4: {  	v1 =	vld [tilespmem:s1+$0xFFFFFFA0]  }
0xa5: {  	v2 =	vld [tilespmem:s1+$0xFFFFFFB0]  }
0xa6: {  	v3 =	vld [tilespmem:s1+$0xFFFFFFC0]  }
0xa7: {  	v6 =	vld [tilespmem:s1+$0xFFFFFFD0]  }
0xa8: {  	v7 =	vld [tilespmem:s1+$0xFFFFFFE0]  }
0xa9: {  	v8 =	vld [tilespmem:s1+$0xFFFFFFF0]  }
0xaa: {  	v9 =	vld [tilespmem:s1+$0xFFFFFF90]  }
0xab: {  	v10 =	vld.idx.msk [tilespmem:v0+s5+$0x0], $0xffff  }
0xac: {  	v11 =	vld.idx.msk [tilespmem:v1+s5+$0x0], $0xffff  }
0xad: {  	v5 =	vld.idx.msk [tilespmem:v2+s5+$0x0], $0xffff  }
0xae: {  	v4 =	vld.idx.msk [tilespmem:v3+s5+$0x0], $0xffff  }
0xaf: {  	v2 =	vld.idx.msk [tilespmem:v6+s5+$0x0], $0xffff  }
0xb0: {  	s29 =	simm.s32 $0x1D740;
	v1 =	vld.idx.msk [tilespmem:v7+s5+$0x0], $0xffff  }
0xb1: {  	v0 =	vld.idx.msk [tilespmem:v8+s5+$0x0], $0xffff;
	[tilespmem:s29+$0x30] =	vst v10  }
0xb2: {  	s28 =	sadd.s32 s28, s12;
	s30 =	simm.s32 $0x0;
	s1 =	simm.s32 $0x1B7F0;
	v3 =	vld.idx.msk [tilespmem:v9+s5+$0x0], $0xffff;
	[tilespmem:s29+$0xFFFFFFD0] =	vst v11  }
.LBB2_9:
0xb3: {  	v6 =	vld [tilespmem:s1+$0x0];
	s30 =	sadd.s32 $0x80, s30;
	[tilespmem:s29+$0xFFFFFFE0] =	vst v5  }
0xb4: {  	v5 =	vld [tilespmem:s1+$0xFFFFFFA0];
	p0 =	slt.u32 s30, $0xF80;
	[tilespmem:s29+$0xFFFFFFF0] =	vst v4  }
0xb5: {  	v4 =	vld [tilespmem:s1+$0xFFFFFFB0];
	[tilespmem:s29+$0x0] =	vst v2  }
0xb6: {  	v2 =	vld [tilespmem:s1+$0xFFFFFFC0];
	[tilespmem:s29+$0x10] =	vst v1  }
0xb7: {  	v1 =	vld [tilespmem:s1+$0xFFFFFFD0];
	[tilespmem:s29+$0x20] =	vst v0  }
0xb8: {  	v0 =	vld [tilespmem:s1+$0xFFFFFFE0];
	[tilespmem:s29+$0xFFFFFFC0] =	vst v3  }
0xb9: {  	v3 =	vld [tilespmem:s1+$0xFFFFFFF0]  }
0xba: {  	v7 =	vld [tilespmem:s1+$0xFFFFFF90]  }
0xbb: {  	v6 =	vld.idx.msk [tilespmem:v6+s5+$0x0], $0xffff  }
0xbc: {  	v8 =	vld.idx.msk [tilespmem:v5+s5+$0x0], $0xffff  }
0xbd: {  	v5 =	vld.idx.msk [tilespmem:v4+s5+$0x0], $0xffff  }
.Ltmp3:
0xbe: {  	v4 =	vld.idx.msk [tilespmem:v2+s5+$0x0], $0xffff;
	(pc) =	sbr.rel @p0 .LBB2_9-.Ltmp3, $4  }
0xbf: {  	v2 =	vld.idx.msk [tilespmem:v1+s5+$0x0], $0xffff  }
0xc0: {  	s29 =	sadd.s32 $0x80, s29;
	v1 =	vld.idx.msk [tilespmem:v0+s5+$0x0], $0xffff  }
0xc1: {  	v0 =	vld.idx.msk [tilespmem:v3+s5+$0x0], $0xffff;
	[tilespmem:s29+$0x30] =	vst v6  }
0xc2: {  	s1 =	sadd.s32 $0x80, s1;
	v3 =	vld.idx.msk [tilespmem:v7+s5+$0x0], $0xffff;
	[tilespmem:s29+$0xFFFFFFD0] =	vst v8  }
0xc3: {  	p0 =	seq.s32 s25, $0xC  }
0xc4: {  	s1 =	sadd.s32 @!p0 $0x1, s26  }
0xc5: {  	[tilespmem:s29+$0xFFFFFFE0] =	vst v5;
	s26 =	sshrl.u32 @!p0 s1, $0x3  }
0xc6: {  	[tilespmem:s29+$0xFFFFFFF0] =	vst v4;
	s1 =	sshll.u32 @!p0 s1, $0x7;
	s26 =	smul.u32 @!p0 $0xC3800, s26  }
0xc7: {  	[tilespmem:s29+$0x0] =	vst v2;
	s1 =	sand.u32 @!p0 $0x380, s1  }
0xc8: {  	[tilespmem:s29+$0x10] =	vst v1;
	s1 =	sor.u32 @!p0 s1, s26  }
0xc9: {  	s25 =	sadd.s32 $0x1, s25;
	s30 =	simm.s32 @!p0 $0x0;
	[tilespmem:s29+$0x20] =	vst v0;
	s1 =	sshrl.u32 @!p0 s1, $0x3  }
0xca: {  	[tilespmem:s29+$0xFFFFFFC0] =	vst v3;
	s29 =	simm.s32 @!p0 $0x400;
	s26 =	simm.s32 @!p0 $0x80;
	s1 =	sadd.s32 @!p0 s2, s1  }
0xcb: {  	[tilespmem:s30], [sflag:$0x1] =	stream.strided.gather @!p0 [hbm4b:s1+s26], $0x18700, s29, s26, $0x38;
	[tilespmem:$0x1E700] =	vst v63  }
0xcc: {  	p0 =	sne.s32 s25, $0xD  }
.Ltmp4:
0xcd: {  	_ = 	snop;
	(pc) =	sbr.rel @p0 .LBB2_2-.Ltmp4, $2  }
0xce: {  	_ =	sdelay $0x2  }
0xcf: {  	[hbm4b:s28+s14] =	stream.strided.scatter [tilespmem:s20], [sflag:$0x3], $0x1000, s15, s14, $0x38;
	[tilespmem:$0x1E700] =	vst v63  }
0xd0: {  	s23 =	sadd.s32 $0x1, s23  }
0xd1: {  	_ =	swait.ge [sflag:s21], $0x1000;
	p0 =	sne.s32 s23, s13  }
.Ltmp5:
0xd2: {  	[sflag:s21] =	ssyncset.done $0x0;
	(pc) =	sbr.rel @p0 .LBB2_1-.Ltmp5, $4  }
0xd3: {  	[sflag:s21] =	ssyncadd.s32 $0xFFFFF000  }
0xd4: {  	_ =	swait.ge [sflag:s22], $0x1000  }
0xd5: {  	[sflag:s22] =	ssyncset.done $0x0  }
0xd6: {  	[sflag:s22] =	ssyncadd.s32 $0xFFFFF000  }
0xd7: {  	_ =	sfence.sel $0x180000  }
0xd8: {  	[bflag:$0x0] =	sbarrier.arrive $0xFFFF  }
0xd9: {  	_ =	strace $0x90000047  }
0xda: {  	[bflag:$0x2] =	sbarrier.arrive $0xFFFF  }
0xdb: {  	p0 =	sne.s32 s0, $0x0;
	s0 =	rddreg [dreg:$0x3]  }
0xdc: {  	s0 =	sadd.s32 @!p0 $0x100000, s0  }
0xdd: {  	[sflag:s0] =	ssyncadd.tile.s32 @!p0 $0x1;
	_ =	shalt  }
.Lfunc_end2:
_tile_overlayer_lowered:
.L_overlay_start_2:
0xde: {  	(tag) =	ssettag $0x2  }
0xdf: {  	s0 =	rddreg [dreg:$0x0];
	s2 =	stileid.u32  }
0xe0: {  	s1 =	rddreg [dreg:$0x1];
	p0 =	sne.s32 s2, $0x0  }
0xe1: {  	s3 =	rddreg [dreg:$0x2];
	[bflag:$0x3] =	sbarrier.arrive $0xFFFF;
	s2 =	simm.s32 @!p0 $0x1C04  }
0xe2: {  	[timem:s3], [sflag:s2] =	dma.local @!p0 [hbm:s0], s1  }
0xe3: {  	s0 =	simm.s32 @!p0 $0x4  }
0xe4: {  	_ =	swait.ge @!p0 [sflag:s0], s1  }
0xe5: {  	s1 =	ssub.s32 @!p0 $0x0, s1;
	[sflag:s0] =	ssyncset.done @!p0 $0x0  }
0xe6: {  	[sflag:s0] =	ssyncadd.s32 @!p0 s1  }
0xe7: {  	[bflag:$0x3] =	sbarrier.arrive $0xFFFF  }
0xe8: {  	_ =	shalt  }

</sc_bundles>
